<compile_context>
chip_gen: v7x
topology: tpu7x:2x2x1
jax: 0.10.2.dev20260603
libtpu: 0.0.44.dev20260713+nightly
codegen_flags: <defaults>
</compile_context>

<pallas_src>
import jax
import jax.numpy as jnp
from jax.experimental import pallas as pl
from jax.experimental.pallas import tpu as pltpu

B = 8
N = 20000
C = 80
NMS_THRESHOLD = 0.5
SCORE_THRESHOLD = 0.05
MAX_DETECTIONS = 300
M = 1000

_NT = 2000


def _prep_kernel(box_ref, cls_ref, sizes_ref, clip_ref, score_ref, label_ref):
    bx = box_ref[0]
    cl = cls_ref[0]
    s2 = sizes_ref[pl.ds(pl.program_id(0), 1), :]

    li2 = jax.lax.broadcasted_iota(jnp.int32, (1, 2), 1)
    w = jnp.max(jnp.where(li2 == 1, s2, 0.0))
    h = jnp.max(jnp.where(li2 == 0, s2, 0.0))
    li4 = jax.lax.broadcasted_iota(jnp.int32, (1, 4), 1)
    bound = jnp.where(li4 % 2 == 0, w, h)
    clip_ref[0] = jnp.clip(bx, 0.0, bound)

    scores = jnp.max(cl, axis=1, keepdims=True)
    lane = jax.lax.broadcasted_iota(jnp.int32, cl.shape, 1)
    labels = jnp.min(jnp.where(cl == scores, lane, C), axis=1, keepdims=True)
    score_ref[0] = jnp.where(scores > SCORE_THRESHOLD, scores, -1e9)
    label_ref[0] = labels


def _nms_kernel(bcol_ref, brow_ref, s_ref, keep_ref, iou_ref):
    bc = bcol_ref[0]
    br = brow_ref[0]
    x1c, y1c = bc[:, 0:1], bc[:, 1:2]
    x2c, y2c = bc[:, 2:3], bc[:, 3:4]
    x1r, y1r = br[0:1, :], br[1:2, :]
    x2r, y2r = br[2:3, :], br[3:4, :]
    area_c = jnp.maximum(x2c - x1c, 0.0) * jnp.maximum(y2c - y1c, 0.0)
    area_r = jnp.maximum(x2r - x1r, 0.0) * jnp.maximum(y2r - y1r, 0.0)
    xx1 = jnp.maximum(x1c, x1r)
    yy1 = jnp.maximum(y1c, y1r)
    xx2 = jnp.minimum(x2c, x2r)
    yy2 = jnp.minimum(y2c, y2r)
    inter = jnp.maximum(xx2 - xx1, 0.0) * jnp.maximum(yy2 - yy1, 0.0)
    union = area_c + area_r - inter
    iou_ref[...] = inter / jnp.maximum(union, 1e-9)

    idx = jax.lax.broadcasted_iota(jnp.int32, (1, M), 1)
    keep_ref[0] = jnp.where(s_ref[0] > SCORE_THRESHOLD, 1.0, 0.0)

    def body(i, carry):
        keepf = keep_ref[0]
        row = iou_ref[pl.ds(i, 1), :]
        ki = jnp.max(jnp.where(idx == i, keepf, 0.0))
        sup = (row > NMS_THRESHOLD) & (idx > i) & (ki > 0.5)
        keep_ref[0] = jnp.where(sup, 0.0, keepf)
        return carry

    jax.lax.fori_loop(0, M, body, 0)


def kernel(box, cls, sizes):
    clipped, score, label = pl.pallas_call(
        _prep_kernel,
        grid=(B, N // _NT),
        in_specs=[
            pl.BlockSpec((1, _NT, 4), lambda b, n: (b, n, 0)),
            pl.BlockSpec((1, _NT, C), lambda b, n: (b, n, 0)),
            pl.BlockSpec((B, 2), lambda b, n: (0, 0)),
        ],
        out_specs=[
            pl.BlockSpec((1, _NT, 4), lambda b, n: (b, n, 0)),
            pl.BlockSpec((1, _NT, 1), lambda b, n: (b, n, 0)),
            pl.BlockSpec((1, _NT, 1), lambda b, n: (b, n, 0)),
        ],
        out_shape=[
            jax.ShapeDtypeStruct((B, N, 4), jnp.float32),
            jax.ShapeDtypeStruct((B, N, 1), jnp.float32),
            jax.ShapeDtypeStruct((B, N, 1), jnp.int32),
        ],
        compiler_params=pltpu.CompilerParams(
            dimension_semantics=("parallel", "arbitrary")),
    )(box, cls, sizes)

    masked = score.reshape(B, N)
    labels = label.reshape(B, N)
    top_s, top_i = jax.lax.top_k(masked, M)
    b_g = jnp.take_along_axis(clipped, top_i[:, :, None], axis=1)
    lab_g = jnp.take_along_axis(labels, top_i, axis=1)
    b_row = jnp.transpose(b_g, (0, 2, 1))

    keep = pl.pallas_call(
        _nms_kernel,
        grid=(B,),
        in_specs=[
            pl.BlockSpec((1, M, 4), lambda b: (b, 0, 0)),
            pl.BlockSpec((1, 4, M), lambda b: (b, 0, 0)),
            pl.BlockSpec((1, 1, M), lambda b: (b, 0, 0)),
        ],
        out_specs=pl.BlockSpec((1, 1, M), lambda b: (b, 0, 0)),
        out_shape=jax.ShapeDtypeStruct((B, 1, M), jnp.float32),
        scratch_shapes=[pltpu.VMEM((M, M), jnp.float32)],
        compiler_params=pltpu.CompilerParams(
            dimension_semantics=("parallel",)),
    )(b_g, b_row, top_s.reshape(B, 1, M))
    keep = keep.reshape(B, M)

    final = jnp.where(keep > 0.5, top_s, -1e9)
    det_s, det_i = jax.lax.top_k(final, MAX_DETECTIONS)
    det_valid = det_s > SCORE_THRESHOLD
    out_b = jnp.where(det_valid[:, :, None],
                      jnp.take_along_axis(b_g, det_i[:, :, None], axis=1), -1.0)
    out_s = jnp.where(det_valid, det_s, -1.0)[:, :, None]
    out_l = jnp.where(det_valid,
                      jnp.take_along_axis(lab_g, det_i, axis=1).astype(jnp.float32),
                      -1.0)[:, :, None]
    return (out_b, out_s, out_l)

# --- scband reference (transcript-rebuilt; emitter-appended) ---
"""Pipeline reference for scband-prediction-61692910240142 (READ-ONLY COPY).

The authoritative reference and input builder live on the scoring server;
editing this copy changes nothing except your own understanding.
"""

import jax, jax.numpy as jnp
import numpy as np

B = 8
N = 20000
C = 80
IMG = 512.0
NMS_THRESHOLD = 0.5
SCORE_THRESHOLD = 0.05
MAX_DETECTIONS = 300
PRE_NMS_TOPK = 1000


def setup_inputs(seed: int = 0) -> dict:
    key = jax.random.key(seed)
    k1, k2, k3 = jax.random.split(key, 3)
    # box: fill=rand -> uniform; construct valid x1y1x2y2 boxes inside a 512x512 image
    xy = jax.random.uniform(k1, (B, N, 2), dtype=jnp.float32) * IMG
    wh = jax.random.uniform(k2, (B, N, 2), dtype=jnp.float32) * 64.0 + 4.0
    box = jnp.concatenate([xy - wh / 2.0, xy + wh / 2.0], axis=-1)
    # cls: fill=rand -> per-class scores in [0,1)
    cls = jax.random.uniform(k3, (B, N, C), dtype=jnp.float32)
    # sizes: fill=ones scaled to image H,W
    sizes = jnp.ones((B, 2), dtype=jnp.float32) * IMG
    return {"box": box, "cls": cls, "sizes": sizes}


def _clip_one(b, s):
    # ClipBoxes: x clamped to [0, W=s[1]], y clamped to [0, H=s[0]]
    x1 = jnp.clip(b[:, 0], 0.0, s[1])
    y1 = jnp.clip(b[:, 1], 0.0, s[0])
    x2 = jnp.clip(b[:, 2], 0.0, s[1])
    y2 = jnp.clip(b[:, 3], 0.0, s[0])
    return jnp.stack([x1, y1, x2, y2], axis=-1)


def _iou_matrix(b):
    x1, y1, x2, y2 = b[:, 0], b[:, 1], b[:, 2], b[:, 3]
    area = jnp.maximum(x2 - x1, 0.0) * jnp.maximum(y2 - y1, 0.0)
    xx1 = jnp.maximum(x1[:, None], x1[None, :])
    yy1 = jnp.maximum(y1[:, None], y1[None, :])
    xx2 = jnp.minimum(x2[:, None], x2[None, :])
    yy2 = jnp.minimum(y2[:, None], y2[None, :])
    inter = jnp.maximum(xx2 - xx1, 0.0) * jnp.maximum(yy2 - yy1, 0.0)
    union = area[:, None] + area[None, :] - inter
    return inter / jnp.maximum(union, 1e-9)


def _nms_keep(iou, init_keep):
    M = init_keep.shape[0]
    idx = jnp.arange(M)

    def body(i, keep):
        suppress = (iou[i] > NMS_THRESHOLD) & (idx > i) & keep[i]
        return keep & (~suppress)

    return jax.lax.fori_loop(0, M, body, init_keep)


def _filter_one(boxes, cls_scores):
    # class_specific_filter=False path: max over classes
    scores = jnp.max(cls_scores, axis=-1)
    labels = jnp.argmax(cls_scores, axis=-1)
    valid = scores > SCORE_THRESHOLD
    masked = jnp.where(valid, scores, -1e9)
    # pre-NMS top-k (standard detector practice; candidates sorted by score as torchvision.ops.nms does)
    top_s, top_i = jax.lax.top_k(masked, PRE_NMS_TOPK)
    b = boxes[top_i]
    lab = labels[top_i]
    iou = jax.lax.stop_gradient(_iou_matrix(b))
    keep0 = top_s > SCORE_THRESHOLD
    keep = _nms_keep(iou, keep0)
    final = jnp.where(keep, top_s, -1e9)
    det_s, det_i = jax.lax.top_k(final, MAX_DETECTIONS)
    det_valid = det_s > SCORE_THRESHOLD
    out_b = jnp.where(det_valid[:, None], b[det_i], -1.0)
    out_s = jnp.where(det_valid, det_s, -1.0)[:, None]
    out_l = jnp.where(det_valid, lab[det_i].astype(jnp.float32), -1.0)[:, None]
    return out_b, out_s, out_l


def reference(box, cls, sizes):
    clipped = jax.vmap(_clip_one)(box, sizes)
    select_boxes, select_scores, select_labels = jax.vmap(_filter_one)(clipped, cls)
    return (select_boxes, select_scores, select_labels)

if __name__ == "__main__":
    import jax
    _d = setup_inputs()
    print(jax.jit(kernel)(*tuple(_d.values())))

</pallas_src>

<mosaic_0001>
module attributes {stable_mosaic.version = 14 : i64} {
  func.func @_prep_kernel(%arg0: i32, %arg1: i32, %arg2: memref<1x2000x4xf32, #tpu.memory_space<vmem>>, %arg3: memref<1x2000x80xf32, #tpu.memory_space<vmem>>, %arg4: memref<8x2xf32, #tpu.memory_space<vmem>>, %arg5: memref<1x2000x4xf32, #tpu.memory_space<vmem>>, %arg6: memref<1x2000x1xf32, #tpu.memory_space<vmem>>, %arg7: memref<1x2000x1xi32, #tpu.memory_space<vmem>>) attributes {dimension_semantics = [#tpu.dimension_semantics<parallel>, #tpu.dimension_semantics<arbitrary>], iteration_bounds = array<i64: 8, 10>, scalar_prefetch = 0 : i64, scratch_operands = 0 : i64, tpu.core_type = #tpu.core_type<tc>, window_params = [{transform_indices = @transform_0, window_bounds = array<i64: 1, 2000, 4>}, {transform_indices = @transform_1, window_bounds = array<i64: 1, 2000, 80>}, {pipeline_mode = #tpu.pipeline_mode<synchronous>, transform_indices = @transform_2, window_bounds = array<i64: 8, 2>}, {transform_indices = @transform_3, window_bounds = array<i64: 1, 2000, 4>}, {transform_indices = @transform_4, window_bounds = array<i64: 1, 2000, 1>}, {transform_indices = @transform_5, window_bounds = array<i64: 1, 2000, 1>}]} {
    %get3A = arith.constant 0 : index
    %get3A_0 = arith.constant 0 : index
    %get3A_1 = arith.constant 0 : index
    %get3A_2 = vector.load %arg2[%get3A, %get3A_0, %get3A_1] : memref<1x2000x4xf32, #tpu.memory_space<vmem>>, vector<1x2000x4xf32>
    %get3A_3 = vector.shape_cast %get3A_2 : vector<1x2000x4xf32> to vector<2000x4xf32>
    %get3A_4 = arith.constant 0 : index
    %get3A_5 = arith.constant 0 : index
    %get3A_6 = arith.constant 0 : index
    %get3A_7 = vector.load %arg3[%get3A_4, %get3A_5, %get3A_6] : memref<1x2000x80xf32, #tpu.memory_space<vmem>>, vector<1x2000x80xf32>
    %get3A_8 = vector.shape_cast %get3A_7 : vector<1x2000x80xf32> to vector<2000x80xf32>
    %get3A_9 = arith.index_cast %arg0 : i32 to index
    %get3A_10 = arith.constant 0 : index
    %get3A_11 = vector.load %arg4[%get3A_9, %get3A_10] : memref<8x2xf32, #tpu.memory_space<vmem>>, vector<1x2xf32>
    %iota3A = tpu.iota {dimensions = array<i32: 1>} : vector<1x2xi32>
    %eq3A = arith.constant 1 : i32
    %eq3A_12 = vector.broadcast %eq3A : i32 to vector<1x2xi32>
    %eq3A_13 = arith.cmpi eq, %iota3A, %eq3A_12 : vector<1x2xi32>
    %jit3A = arith.constant 0.000000e+00 : f32
    %broadcast_in_dim3A = vector.broadcast %jit3A : f32 to vector<1x2xf32>
    %select_n3A = arith.select %eq3A_13, %get3A_11, %broadcast_in_dim3A : vector<1x2xi1>, vector<1x2xf32>
    %reduce_max3A = vector.shape_cast %select_n3A : vector<1x2xf32> to vector<1x1x2xf32>
    %reduce_max3A_14 = arith.constant dense<0xFF800000> : vector<1xf32>
    %reduce_max3A_15 = vector.multi_reduction <maximumf>, %reduce_max3A, %reduce_max3A_14 [1, 2] : vector<1x1x2xf32> to vector<1xf32>
    %reduce_max3A_16 = vector.shape_cast %reduce_max3A_15 : vector<1xf32> to vector<1x1x1xf32>
    %reduce_max3A_17 = vector.extract %reduce_max3A_16[0, 0, 0] : f32 from vector<1x1x1xf32>
    %eq3A_18 = arith.constant 0 : i32
    %eq3A_19 = vector.broadcast %eq3A_18 : i32 to vector<1x2xi32>
    %eq3A_20 = arith.cmpi eq, %iota3A, %eq3A_19 : vector<1x2xi32>
    %jit3A_21 = arith.constant 0.000000e+00 : f32
    %broadcast_in_dim3A_22 = vector.broadcast %jit3A_21 : f32 to vector<1x2xf32>
    %select_n3A_23 = arith.select %eq3A_20, %get3A_11, %broadcast_in_dim3A_22 : vector<1x2xi1>, vector<1x2xf32>
    %reduce_max3A_24 = vector.shape_cast %select_n3A_23 : vector<1x2xf32> to vector<1x1x2xf32>
    %reduce_max3A_25 = arith.constant dense<0xFF800000> : vector<1xf32>
    %reduce_max3A_26 = vector.multi_reduction <maximumf>, %reduce_max3A_24, %reduce_max3A_25 [1, 2] : vector<1x1x2xf32> to vector<1xf32>
    %reduce_max3A_27 = vector.shape_cast %reduce_max3A_26 : vector<1xf32> to vector<1x1x1xf32>
    %reduce_max3A_28 = vector.extract %reduce_max3A_27[0, 0, 0] : f32 from vector<1x1x1xf32>
    %iota3A_29 = tpu.iota {dimensions = array<i32: 1>} : vector<1x4xi32>
    %jit3A_30 = arith.constant 2 : i32
    %eq3A_31 = arith.constant 0 : i32
    %eq3A_32 = arith.cmpi eq, %jit3A_30, %eq3A_31 : i32
    %jit3A_33 = arith.constant 1 : i32
    %select_n3A_34 = arith.select %eq3A_32, %jit3A_33, %jit3A_30 : i32
    %rem3A = vector.broadcast %select_n3A_34 : i32 to vector<1x4xi32>
    %rem3A_35 = arith.remsi %iota3A_29, %rem3A : vector<1x4xi32>
    %ne3A = arith.constant 0 : i32
    %ne3A_36 = vector.broadcast %ne3A : i32 to vector<1x4xi32>
    %ne3A_37 = arith.cmpi ne, %rem3A_35, %ne3A_36 : vector<1x4xi32>
    %lt3A = arith.constant 0 : i32
    %lt3A_38 = vector.broadcast %lt3A : i32 to vector<1x4xi32>
    %lt3A_39 = arith.cmpi slt, %rem3A_35, %lt3A_38 : vector<1x4xi32>
    %lt3A_40 = arith.constant 0 : i32
    %lt3A_41 = arith.cmpi slt, %select_n3A_34, %lt3A_40 : i32
    %ne3A_42 = vector.broadcast %lt3A_41 : i1 to vector<1x4xi1>
    %ne3A_43 = vector.broadcast %ne3A_42 : vector<1x4xi1> to vector<1x4xi1>
    %ne3A_44 = arith.xori %lt3A_39, %ne3A_43 : vector<1x4xi1>
    %and3A = arith.andi %ne3A_44, %ne3A_37 : vector<1x4xi1>
    %add3A = vector.broadcast %select_n3A_34 : i32 to vector<1x4xi32>
    %add3A_45 = arith.addi %rem3A_35, %add3A : vector<1x4xi32>
    %select_n3A_46 = arith.select %and3A, %add3A_45, %rem3A_35 : vector<1x4xi1>, vector<1x4xi32>
    %eq3A_47 = arith.constant 0 : i32
    %eq3A_48 = vector.broadcast %eq3A_47 : i32 to vector<1x4xi32>
    %eq3A_49 = arith.cmpi eq, %select_n3A_46, %eq3A_48 : vector<1x4xi32>
    %broadcast_in_dim3A_50 = vector.broadcast %reduce_max3A_17 : f32 to vector<1x4xf32>
    %broadcast_in_dim3A_51 = vector.broadcast %reduce_max3A_28 : f32 to vector<1x4xf32>
    %select_n3A_52 = arith.select %eq3A_49, %broadcast_in_dim3A_50, %broadcast_in_dim3A_51 : vector<1x4xi1>, vector<1x4xf32>
    %jit3A_53 = arith.constant 0.000000e+00 : f32
    %max3A = vector.broadcast %jit3A_53 : f32 to vector<2000x4xf32>
    %max3A_54 = arith.maximumf %max3A, %get3A_3 : vector<2000x4xf32>
    %min3A = vector.broadcast %select_n3A_52 : vector<1x4xf32> to vector<2000x4xf32>
    %min3A_55 = arith.minimumf %min3A, %max3A_54 : vector<2000x4xf32>
    %swap3A = arith.constant 0 : index
    %swap3A_56 = arith.constant 0 : index
    %swap3A_57 = arith.constant 0 : index
    %swap3A_58 = vector.load %arg5[%swap3A, %swap3A_56, %swap3A_57] : memref<1x2000x4xf32, #tpu.memory_space<vmem>>, vector<1x2000x4xf32>
    %swap3A_59 = vector.shape_cast %swap3A_58 : vector<1x2000x4xf32> to vector<2000x4xf32>
    %swap3A_60 = vector.shape_cast %min3A_55 : vector<2000x4xf32> to vector<1x2000x4xf32>
    tpu.vector_store %arg5[%swap3A, %swap3A_56, %swap3A_57], %swap3A_60 {strides = array<i32>} : memref<1x2000x4xf32, #tpu.memory_space<vmem>>, vector<1x2000x4xf32>,
    %reduce_max3A_61 = arith.constant dense<0xFF800000> : vector<2000xf32>
    %reduce_max3A_62 = vector.multi_reduction <maximumf>, %get3A_8, %reduce_max3A_61 [1] : vector<2000x80xf32> to vector<2000xf32>
    %broadcast_in_dim3A_63 = vector.shape_cast %reduce_max3A_62 : vector<2000xf32> to vector<2000x1xf32>
    %iota3A_64 = tpu.iota {dimensions = array<i32: 1>} : vector<2000x80xi32>
    %eq3A_65 = vector.broadcast %broadcast_in_dim3A_63 : vector<2000x1xf32> to vector<2000x80xf32>
    %eq3A_66 = arith.cmpf oeq, %get3A_8, %eq3A_65 : vector<2000x80xf32>
    %jit3A_67 = arith.constant 80 : i32
    %broadcast_in_dim3A_68 = vector.broadcast %jit3A_67 : i32 to vector<2000x80xi32>
    %select_n3A_69 = arith.select %eq3A_66, %iota3A_64, %broadcast_in_dim3A_68 : vector<2000x80xi1>, vector<2000x80xi32>
    %reduce_min3A = arith.constant dense<2147483647> : vector<2000xi32>
    %reduce_min3A_70 = vector.multi_reduction <minsi>, %select_n3A_69, %reduce_min3A [1] : vector<2000x80xi32> to vector<2000xi32>
    %broadcast_in_dim3A_71 = vector.shape_cast %reduce_min3A_70 : vector<2000xi32> to vector<2000x1xi32>
    %gt3A = arith.constant 5.000000e-02 : f32
    %gt3A_72 = vector.broadcast %gt3A : f32 to vector<2000x1xf32>
    %gt3A_73 = arith.cmpf ogt, %broadcast_in_dim3A_63, %gt3A_72 : vector<2000x1xf32>
    %jit3A_74 = arith.constant -1.000000e+09 : f32
    %broadcast_in_dim3A_75 = vector.broadcast %jit3A_74 : f32 to vector<2000x1xf32>
    %select_n3A_76 = arith.select %gt3A_73, %broadcast_in_dim3A_63, %broadcast_in_dim3A_75 : vector<2000x1xi1>, vector<2000x1xf32>
    %swap3A_77 = arith.constant 0 : index
    %swap3A_78 = arith.constant 0 : index
    %swap3A_79 = arith.constant 0 : index
    %swap3A_80 = vector.load %arg6[%swap3A_77, %swap3A_78, %swap3A_79] : memref<1x2000x1xf32, #tpu.memory_space<vmem>>, vector<1x2000x1xf32>
    %swap3A_81 = vector.shape_cast %swap3A_80 : vector<1x2000x1xf32> to vector<2000x1xf32>
    %swap3A_82 = vector.shape_cast %select_n3A_76 : vector<2000x1xf32> to vector<1x2000x1xf32>
    tpu.vector_store %arg6[%swap3A_77, %swap3A_78, %swap3A_79], %swap3A_82 {strides = array<i32>} : memref<1x2000x1xf32, #tpu.memory_space<vmem>>, vector<1x2000x1xf32>,
    %swap3A_83 = arith.constant 0 : index
    %swap3A_84 = arith.constant 0 : index
    %swap3A_85 = arith.constant 0 : index
    %swap3A_86 = vector.load %arg7[%swap3A_83, %swap3A_84, %swap3A_85] : memref<1x2000x1xi32, #tpu.memory_space<vmem>>, vector<1x2000x1xi32>
    %swap3A_87 = vector.shape_cast %swap3A_86 : vector<1x2000x1xi32> to vector<2000x1xi32>
    %swap3A_88 = vector.shape_cast %broadcast_in_dim3A_71 : vector<2000x1xi32> to vector<1x2000x1xi32>
    tpu.vector_store %arg7[%swap3A_83, %swap3A_84, %swap3A_85], %swap3A_88 {strides = array<i32>} : memref<1x2000x1xi32, #tpu.memory_space<vmem>>, vector<1x2000x1xi32>,
    return
  }
  func.func @transform_0(%arg0: i32, %arg1: i32) -> (i32, i32, i32) {
    %c0_i32 = arith.constant 0 : i32
    %c0_i32_0 = arith.constant 0 : i32
    return %arg0, %arg1, %c0_i32 : i32, i32, i32
  }
  func.func @transform_1(%arg0: i32, %arg1: i32) -> (i32, i32, i32) {
    %c0_i32 = arith.constant 0 : i32
    %c0_i32_0 = arith.constant 0 : i32
    return %arg0, %arg1, %c0_i32 : i32, i32, i32
  }
  func.func @transform_2(%arg0: i32, %arg1: i32) -> (i32, i32) {
    %c0_i32 = arith.constant 0 : i32
    %c0_i32_0 = arith.constant 0 : i32
    %c0_i32_1 = arith.constant 0 : i32
    return %c0_i32, %c0_i32_0 : i32, i32
  }
  func.func @transform_3(%arg0: i32, %arg1: i32) -> (i32, i32, i32) {
    %c0_i32 = arith.constant 0 : i32
    %c0_i32_0 = arith.constant 0 : i32
    return %arg0, %arg1, %c0_i32 : i32, i32, i32
  }
  func.func @transform_4(%arg0: i32, %arg1: i32) -> (i32, i32, i32) {
    %c0_i32 = arith.constant 0 : i32
    %c0_i32_0 = arith.constant 0 : i32
    return %arg0, %arg1, %c0_i32 : i32, i32, i32
  }
  func.func @transform_5(%arg0: i32, %arg1: i32) -> (i32, i32, i32) {
    %c0_i32 = arith.constant 0 : i32
    %c0_i32_0 = arith.constant 0 : i32
    return %arg0, %arg1, %c0_i32 : i32, i32, i32
  }
}

module attributes {stable_mosaic.version = 14 : i64} {
  func.func @_nms_kernel(%arg0: i32, %arg1: memref<1x1000x4xf32, #tpu.memory_space<vmem>>, %arg2: memref<1x4x1000xf32, #tpu.memory_space<vmem>>, %arg3: memref<1x1x1000xf32, #tpu.memory_space<vmem>>, %arg4: memref<1x1x1000xf32, #tpu.memory_space<vmem>>, %arg5: memref<1000x1000xf32, #tpu.memory_space<vmem>>) attributes {dimension_semantics = [#tpu.dimension_semantics<parallel>], iteration_bounds = array<i64: 8>, scalar_prefetch = 0 : i64, scratch_operands = 1 : i64, tpu.core_type = #tpu.core_type<tc>, window_params = [{transform_indices = @transform_0, window_bounds = array<i64: 1, 1000, 4>}, {transform_indices = @transform_1, window_bounds = array<i64: 1, 4, 1000>}, {transform_indices = @transform_2, window_bounds = array<i64: 1, 1, 1000>}, {transform_indices = @transform_3, window_bounds = array<i64: 1, 1, 1000>}]} {
    %get3A = arith.constant 0 : index
    %get3A_0 = arith.constant 0 : index
    %get3A_1 = arith.constant 0 : index
    %get3A_2 = vector.load %arg1[%get3A, %get3A_0, %get3A_1] : memref<1x1000x4xf32, #tpu.memory_space<vmem>>, vector<1x1000x4xf32>
    %get3A_3 = vector.shape_cast %get3A_2 : vector<1x1000x4xf32> to vector<1000x4xf32>
    %get3A_4 = arith.constant 0 : index
    %get3A_5 = arith.constant 0 : index
    %get3A_6 = arith.constant 0 : index
    %get3A_7 = vector.load %arg2[%get3A_4, %get3A_5, %get3A_6] : memref<1x4x1000xf32, #tpu.memory_space<vmem>>, vector<1x4x1000xf32>
    %get3A_8 = vector.shape_cast %get3A_7 : vector<1x4x1000xf32> to vector<4x1000xf32>
    %slice3A = vector.extract_strided_slice %get3A_3 {offsets = [0, 0], sizes = [1000, 1], strides = [1, 1]} : vector<1000x4xf32> to vector<1000x1xf32>
    %slice3A_9 = vector.extract_strided_slice %get3A_3 {offsets = [0, 1], sizes = [1000, 1], strides = [1, 1]} : vector<1000x4xf32> to vector<1000x1xf32>
    %slice3A_10 = vector.extract_strided_slice %get3A_3 {offsets = [0, 2], sizes = [1000, 1], strides = [1, 1]} : vector<1000x4xf32> to vector<1000x1xf32>
    %slice3A_11 = vector.extract_strided_slice %get3A_3 {offsets = [0, 3], sizes = [1000, 1], strides = [1, 1]} : vector<1000x4xf32> to vector<1000x1xf32>
    %slice3A_12 = vector.extract_strided_slice %get3A_8 {offsets = [0, 0], sizes = [1, 1000], strides = [1, 1]} : vector<4x1000xf32> to vector<1x1000xf32>
    %slice3A_13 = vector.extract_strided_slice %get3A_8 {offsets = [1, 0], sizes = [1, 1000], strides = [1, 1]} : vector<4x1000xf32> to vector<1x1000xf32>
    %slice3A_14 = vector.extract_strided_slice %get3A_8 {offsets = [2, 0], sizes = [1, 1000], strides = [1, 1]} : vector<4x1000xf32> to vector<1x1000xf32>
    %slice3A_15 = vector.extract_strided_slice %get3A_8 {offsets = [3, 0], sizes = [1, 1000], strides = [1, 1]} : vector<4x1000xf32> to vector<1x1000xf32>
    %sub3A = arith.subf %slice3A_10, %slice3A : vector<1000x1xf32>
    %max3A = arith.constant 0.000000e+00 : f32
    %max3A_16 = vector.broadcast %max3A : f32 to vector<1000x1xf32>
    %max3A_17 = arith.maximumf %sub3A, %max3A_16 : vector<1000x1xf32>
    %sub3A_18 = arith.subf %slice3A_11, %slice3A_9 : vector<1000x1xf32>
    %max3A_19 = arith.constant 0.000000e+00 : f32
    %max3A_20 = vector.broadcast %max3A_19 : f32 to vector<1000x1xf32>
    %max3A_21 = arith.maximumf %sub3A_18, %max3A_20 : vector<1000x1xf32>
    %mul3A = arith.mulf %max3A_17, %max3A_21 : vector<1000x1xf32>
    %sub3A_22 = arith.subf %slice3A_14, %slice3A_12 : vector<1x1000xf32>
    %max3A_23 = arith.constant 0.000000e+00 : f32
    %max3A_24 = vector.broadcast %max3A_23 : f32 to vector<1x1000xf32>
    %max3A_25 = arith.maximumf %sub3A_22, %max3A_24 : vector<1x1000xf32>
    %sub3A_26 = arith.subf %slice3A_15, %slice3A_13 : vector<1x1000xf32>
    %max3A_27 = arith.constant 0.000000e+00 : f32
    %max3A_28 = vector.broadcast %max3A_27 : f32 to vector<1x1000xf32>
    %max3A_29 = arith.maximumf %sub3A_26, %max3A_28 : vector<1x1000xf32>
    %mul3A_30 = arith.mulf %max3A_25, %max3A_29 : vector<1x1000xf32>
    %max3A_31 = vector.broadcast %slice3A : vector<1000x1xf32> to vector<1000x1000xf32>
    %max3A_32 = vector.broadcast %slice3A_12 : vector<1x1000xf32> to vector<1000x1000xf32>
    %max3A_33 = arith.maximumf %max3A_31, %max3A_32 : vector<1000x1000xf32>
    %max3A_34 = vector.broadcast %slice3A_9 : vector<1000x1xf32> to vector<1000x1000xf32>
    %max3A_35 = vector.broadcast %slice3A_13 : vector<1x1000xf32> to vector<1000x1000xf32>
    %max3A_36 = arith.maximumf %max3A_34, %max3A_35 : vector<1000x1000xf32>
    %min3A = vector.broadcast %slice3A_10 : vector<1000x1xf32> to vector<1000x1000xf32>
    %min3A_37 = vector.broadcast %slice3A_14 : vector<1x1000xf32> to vector<1000x1000xf32>
    %min3A_38 = arith.minimumf %min3A, %min3A_37 : vector<1000x1000xf32>
    %min3A_39 = vector.broadcast %slice3A_11 : vector<1000x1xf32> to vector<1000x1000xf32>
    %min3A_40 = vector.broadcast %slice3A_15 : vector<1x1000xf32> to vector<1000x1000xf32>
    %min3A_41 = arith.minimumf %min3A_39, %min3A_40 : vector<1000x1000xf32>
    %sub3A_42 = arith.subf %min3A_38, %max3A_33 : vector<1000x1000xf32>
    %max3A_43 = arith.constant 0.000000e+00 : f32
    %max3A_44 = vector.broadcast %max3A_43 : f32 to vector<1000x1000xf32>
    %max3A_45 = arith.maximumf %sub3A_42, %max3A_44 : vector<1000x1000xf32>
    %sub3A_46 = arith.subf %min3A_41, %max3A_36 : vector<1000x1000xf32>
    %max3A_47 = arith.constant 0.000000e+00 : f32
    %max3A_48 = vector.broadcast %max3A_47 : f32 to vector<1000x1000xf32>
    %max3A_49 = arith.maximumf %sub3A_46, %max3A_48 : vector<1000x1000xf32>
    %mul3A_50 = arith.mulf %max3A_45, %max3A_49 : vector<1000x1000xf32>
    %add3A = vector.broadcast %mul3A : vector<1000x1xf32> to vector<1000x1000xf32>
    %add3A_51 = vector.broadcast %mul3A_30 : vector<1x1000xf32> to vector<1000x1000xf32>
    %add3A_52 = arith.addf %add3A, %add3A_51 : vector<1000x1000xf32>
    %sub3A_53 = arith.subf %add3A_52, %mul3A_50 : vector<1000x1000xf32>
    %max3A_54 = arith.constant 9.99999971E-10 : f32
    %max3A_55 = vector.broadcast %max3A_54 : f32 to vector<1000x1000xf32>
    %max3A_56 = arith.maximumf %sub3A_53, %max3A_55 : vector<1000x1000xf32>
    %div3A = arith.divf %mul3A_50, %max3A_56 : vector<1000x1000xf32>
    %swap3A = arith.constant 0 : index
    %swap3A_57 = arith.constant 0 : index
    %swap3A_58 = vector.load %arg5[%swap3A, %swap3A_57] : memref<1000x1000xf32, #tpu.memory_space<vmem>>, vector<1000x1000xf32>
    tpu.vector_store %arg5[%swap3A, %swap3A_57], %div3A {strides = array<i32>} : memref<1000x1000xf32, #tpu.memory_space<vmem>>, vector<1000x1000xf32>,
    %iota3A = tpu.iota {dimensions = array<i32: 1>} : vector<1x1000xi32>
    %get3A_59 = arith.constant 0 : index
    %get3A_60 = arith.constant 0 : index
    %get3A_61 = arith.constant 0 : index
    %get3A_62 = vector.load %arg3[%get3A_59, %get3A_60, %get3A_61] : memref<1x1x1000xf32, #tpu.memory_space<vmem>>, vector<1x1x1000xf32>
    %get3A_63 = vector.shape_cast %get3A_62 : vector<1x1x1000xf32> to vector<1x1000xf32>
    %gt3A = arith.constant 5.000000e-02 : f32
    %gt3A_64 = vector.broadcast %gt3A : f32 to vector<1x1000xf32>
    %gt3A_65 = arith.cmpf ogt, %get3A_63, %gt3A_64 : vector<1x1000xf32>
    %jit3A = arith.constant 1.000000e+00 : f32
    %jit3A_66 = arith.constant 0.000000e+00 : f32
    %broadcast_in_dim3A = vector.broadcast %jit3A : f32 to vector<1x1000xf32>
    %broadcast_in_dim3A_67 = vector.broadcast %jit3A_66 : f32 to vector<1x1000xf32>
    %select_n3A = arith.select %gt3A_65, %broadcast_in_dim3A, %broadcast_in_dim3A_67 : vector<1x1000xi1>, vector<1x1000xf32>
    %swap3A_68 = arith.constant 0 : index
    %swap3A_69 = arith.constant 0 : index
    %swap3A_70 = arith.constant 0 : index
    %swap3A_71 = vector.load %arg4[%swap3A_68, %swap3A_69, %swap3A_70] : memref<1x1x1000xf32, #tpu.memory_space<vmem>>, vector<1x1x1000xf32>
    %swap3A_72 = vector.shape_cast %swap3A_71 : vector<1x1x1000xf32> to vector<1x1000xf32>
    %swap3A_73 = vector.shape_cast %select_n3A : vector<1x1000xf32> to vector<1x1x1000xf32>
    tpu.vector_store %arg4[%swap3A_68, %swap3A_69, %swap3A_70], %swap3A_73 {strides = array<i32>} : memref<1x1x1000xf32, #tpu.memory_space<vmem>>, vector<1x1x1000xf32>,
    %scan3A = arith.constant 0 : i32
    %scan3A_74 = arith.constant 1000 : i32
    %scan3A_75 = arith.addi %scan3A, %scan3A_74 : i32
    %scan3A_76 = arith.constant 1 : i32
    scf.for %scan3A_78 = %scan3A to %scan3A_75 step %scan3A_76  : i32 {
      %get3A_79 = arith.constant 0 : index
      %get3A_80 = arith.constant 0 : index
      %get3A_81 = arith.constant 0 : index
      %get3A_82 = vector.load %arg4[%get3A_79, %get3A_80, %get3A_81] : memref<1x1x1000xf32, #tpu.memory_space<vmem>>, vector<1x1x1000xf32>
      %get3A_83 = vector.shape_cast %get3A_82 : vector<1x1x1000xf32> to vector<1x1000xf32>
      %get3A_84 = arith.index_cast %scan3A_78 : i32 to index
      %get3A_85 = arith.constant 0 : index
      %get3A_86 = vector.load %arg5[%get3A_84, %get3A_85] : memref<1000x1000xf32, #tpu.memory_space<vmem>>, vector<1x1000xf32>
      %eq3A = vector.broadcast %scan3A_78 : i32 to vector<1x1000xi32>
      %eq3A_87 = arith.cmpi eq, %iota3A, %eq3A : vector<1x1000xi32>
      %jit3A_88 = arith.constant 0.000000e+00 : f32
      %broadcast_in_dim3A_89 = vector.broadcast %jit3A_88 : f32 to vector<1x1000xf32>
      %select_n3A_90 = arith.select %eq3A_87, %get3A_83, %broadcast_in_dim3A_89 : vector<1x1000xi1>, vector<1x1000xf32>
      %reduce_max3A = vector.shape_cast %select_n3A_90 : vector<1x1000xf32> to vector<1x1x1000xf32>
      %reduce_max3A_91 = arith.constant dense<0xFF800000> : vector<1xf32>
      %reduce_max3A_92 = vector.multi_reduction <maximumf>, %reduce_max3A, %reduce_max3A_91 [1, 2] : vector<1x1x1000xf32> to vector<1xf32>
      %reduce_max3A_93 = vector.shape_cast %reduce_max3A_92 : vector<1xf32> to vector<1x1x1xf32>
      %reduce_max3A_94 = vector.extract %reduce_max3A_93[0, 0, 0] : f32 from vector<1x1x1xf32>
      %gt3A_95 = arith.constant 5.000000e-01 : f32
      %gt3A_96 = vector.broadcast %gt3A_95 : f32 to vector<1x1000xf32>
      %gt3A_97 = arith.cmpf ogt, %get3A_86, %gt3A_96 : vector<1x1000xf32>
      %gt3A_98 = vector.broadcast %scan3A_78 : i32 to vector<1x1000xi32>
      %gt3A_99 = arith.cmpi sgt, %iota3A, %gt3A_98 : vector<1x1000xi32>
      %and3A = arith.andi %gt3A_97, %gt3A_99 : vector<1x1000xi1>
      %gt3A_100 = arith.constant 5.000000e-01 : f32
      %gt3A_101 = arith.cmpf ogt, %reduce_max3A_94, %gt3A_100 : f32
      %and3A_102 = vector.broadcast %gt3A_101 : i1 to vector<1x1000xi1>
      %and3A_103 = arith.andi %and3A, %and3A_102 : vector<1x1000xi1>
      %jit3A_104 = arith.constant 0.000000e+00 : f32
      %broadcast_in_dim3A_105 = vector.broadcast %jit3A_104 : f32 to vector<1x1000xf32>
      %select_n3A_106 = arith.select %and3A_103, %broadcast_in_dim3A_105, %get3A_83 : vector<1x1000xi1>, vector<1x1000xf32>
      %swap3A_107 = arith.constant 0 : index
      %swap3A_108 = arith.constant 0 : index
      %swap3A_109 = arith.constant 0 : index
      %swap3A_110 = vector.load %arg4[%swap3A_107, %swap3A_108, %swap3A_109] : memref<1x1x1000xf32, #tpu.memory_space<vmem>>, vector<1x1x1000xf32>
      %swap3A_111 = vector.shape_cast %swap3A_110 : vector<1x1x1000xf32> to vector<1x1000xf32>
      %swap3A_112 = vector.shape_cast %select_n3A_106 : vector<1x1000xf32> to vector<1x1x1000xf32>
      tpu.vector_store %arg4[%swap3A_107, %swap3A_108, %swap3A_109], %swap3A_112 {strides = array<i32>} : memref<1x1x1000xf32, #tpu.memory_space<vmem>>, vector<1x1x1000xf32>,
    }
    %scan3A_77 = arith.constant 1000 : i32
    return
  }
  func.func @transform_0(%arg0: i32) -> (i32, i32, i32) {
    %c0_i32 = arith.constant 0 : i32
    %c0_i32_0 = arith.constant 0 : i32
    %c0_i32_1 = arith.constant 0 : i32
    return %arg0, %c0_i32, %c0_i32_0 : i32, i32, i32
  }
  func.func @transform_1(%arg0: i32) -> (i32, i32, i32) {
    %c0_i32 = arith.constant 0 : i32
    %c0_i32_0 = arith.constant 0 : i32
    %c0_i32_1 = arith.constant 0 : i32
    return %arg0, %c0_i32, %c0_i32_0 : i32, i32, i32
  }
  func.func @transform_2(%arg0: i32) -> (i32, i32, i32) {
    %c0_i32 = arith.constant 0 : i32
    %c0_i32_0 = arith.constant 0 : i32
    %c0_i32_1 = arith.constant 0 : i32
    return %arg0, %c0_i32, %c0_i32_0 : i32, i32, i32
  }
  func.func @transform_3(%arg0: i32) -> (i32, i32, i32) {
    %c0_i32 = arith.constant 0 : i32
    %c0_i32_0 = arith.constant 0 : i32
    %c0_i32_1 = arith.constant 0 : i32
    return %arg0, %c0_i32, %c0_i32_0 : i32, i32, i32
  }
}

</mosaic_0001>

<sc_bundles>
// kernel: gather_offload_async_start.1
scs
__scs_entry_jumppad:
0x0: {  	(pc) =	sbr.rel $0x88, $3  }
0x1: {  	(tag) =	ssettag $0x0;
	lr =	simm.s32 $0x1  }
0x2: {  	[smem:$0x3F9E] =	sst lr;
	_ =	strace $0xD0000000  }
0x3: {  	_ = 	snop  }
0x4: {  	_ = 	snop  }
0x5: {  	_ = 	snop  }
0x6: {  	_ = 	snop  }
0x7: {  	_ = 	snop  }
__scs_overlays_trampoline_lowered:
0x8: {  	[smem:$0x3FAD] =	sst s0  }
0x9: {  	[smem:$0x3FAE] =	sst s1  }
0xa: {  	[smem:$0x3FAF] =	sst s2  }
0xb: {  	[smem:$0x3FB0] =	sst s3  }
0xc: {  	[smem:$0x3FB1] =	sst s4  }
0xd: {  	[smem:$0x3FB2] =	sst s5  }
0xe: {  	[smem:$0x3FB3] =	sst s6  }
0xf: {  	[smem:$0x3FB4] =	sst s7  }
0x10: {  	[smem:$0x3FB5] =	sst s8  }
0x11: {  	[smem:$0x3FB6] =	sst s9;
	s0 =	simm.s32 @!p0 $0x0  }
0x12: {  	s1 =	sld [smem:$0x3F9C];
	s0 =	simm.s32 @p0 $0x1  }
0x13: {  	[smem:$0x3FB7] =	sst s0;
	s0 =	simm.s32 @!p1 $0x0  }
0x14: {  	s2 =	sld [smem:$0x3F9B];
	s0 =	simm.s32 @p1 $0x1  }
0x15: {  	[smem:$0x3FB8] =	sst s0;
	s0 =	simm.s32 @!p2 $0x0  }
0x16: {  	s3 =	sld [smem:$0x3FDB];
	s0 =	simm.s32 @p2 $0x1  }
0x17: {  	s4 =	simm.s32 $0x1BF5;
	[smem:$0x3FBA] =	sst s0  }
0x18: {  	s0 =	sld [smem:$0x3F9D];
	_ =	swait.ge [sflag:s4], $0x0  }
0x19: {  	s7 =	sld [smem:$0x3F9E]  }
0x1a: {  	s8 =	sadd.s32 $0xFFFFE003, lr  }
0x1b: {  	s9 =	sadd.s32 $0xFFFFFEF7, lr;
	s5 =	simm.s32 $0xFFFFFFFF;
	p2 =	slt.u32 s8, $0xFFFFF086  }
0x1c: {  	p1 =	slt.u32 s9, $0xF7A;
	s5 =	simm.s32 @!p2 $0x0  }
0x1d: {  	s5 =	simm.s32 @p1 $0x1;
	p0 =	seq.s32 s7, s2  }
0x1e: {  	s7 =	smul.u32 @!p0 $0xF7A, s2;
	p2 =	seq.s32 @!p0 s5, $0x0  }
0x1f: {  	s9 =	smul.u32 $0xF7A, s1;
	s8 =	simm.s32 @!p0 $0x1BF5;
	p2 =	por !p2, p0  }
0x20: {  	[sflag:s8] =	ssyncset.s32 @!p0 $0xFFFFF086;
	s6 =	sadd.s32 @!p0 s3, s7;
	s7 =	simm.s32 @!p0 $0x108  }
0x21: {  	s3 =	sadd.s32 s3, s9;
	s6 =	sadd.s32 @!p0 $0x88, s6;
	s7 =	simm.s32 @p2 $0x1082  }
0x22: {  	[simem:s7], [sflag:s8] =	dma.local @!p0 [hbm:s6], $0xF7A  }
0x23: {  	s9 =	sor.u32 $0xD0000000, s2;
	s6 =	simm.s32 $0x108;
	_ =	swait.ge @!p0 [sflag:s8], $0x0  }
0x24: {  	s3 =	sadd.s32 $0x88, s3;
	s6 =	simm.s32 @!p1 $0x1082;
	[sflag:s4] =	ssyncset.s32 $0xFFFFF086  }
0x25: {  	[simem:s6], [sflag:s4] =	dma.local [hbm:s3], $0xF7A  }
0x26: {  	[smem:$0x3F9E] =	sst s1;
	(tag) =	ssettag s2;
	_ =	strace s9  }
0x27: {  	s1 =	sld [smem:$0x3FAE]  }
0x28: {  	s2 =	sld [smem:$0x3FAF]  }
0x29: {  	s4 =	sld [smem:$0x3FB1]  }
0x2a: {  	p0 =	seq.s32 s5, $0x0;
	s5 =	sld [smem:$0x3FB2]  }
0x2b: {  	s6 =	sld [smem:$0x3FB3]  }
0x2c: {  	s7 =	sld [smem:$0x3FB4]  }
0x2d: {  	s3 =	simm.s32 $0x108;
	s8 =	sld [smem:$0x3FB5]  }
0x2e: {  	s3 =	simm.s32 @!p0 $0x1082;
	s9 =	sld [smem:$0x3FB6]  }
0x2f: {  	lr =	sadd.s32 s0, s3;
	s0 =	sld [smem:$0x3FAD]  }
0x30: {  	s3 =	sld [smem:$0x3FB0]  }
0x31: {  	[smem:$0x3FB9] =	sst s10  }
0x32: {  	s10 =	sld [smem:$0x3FB7];
	_ =	sdelay $0x3  }
0x33: {  	p0 =	seq.s32 s10, $0x1;
	s10 =	sld [smem:$0x3FB9];
	_ =	sdelay $0x3  }
0x34: {  	[smem:$0x3FB9] =	sst s10  }
0x35: {  	s10 =	sld [smem:$0x3FB8];
	_ =	sdelay $0x3  }
0x36: {  	p1 =	seq.s32 s10, $0x1;
	s10 =	sld [smem:$0x3FB9];
	_ =	sdelay $0x3  }
0x37: {  	[smem:$0x3FB9] =	sst s10  }
0x38: {  	s10 =	sld [smem:$0x3FBA]  }
0x39: {  	_ = 	snop;
	(pc) =	sbr.ind lr, $3  }
0x3a: {  	_ = 	snop  }
0x3b: {  	_ = 	snop  }
0x3c: {  	p2 =	seq.s32 s10, $0x1;
	s10 =	sld [smem:$0x3FB9]  }
0x3d: {  	_ =	shalt  }
0x3e: {  	_ =	shalt  }
0x3f: {  	_ =	shalt  }
0x40: {  	_ =	shalt  }
0x41: {  	_ =	shalt  }
0x42: {  	_ =	shalt  }
0x43: {  	_ =	shalt  }
0x44: {  	_ =	shalt  }
0x45: {  	_ =	shalt  }
0x46: {  	_ =	shalt  }
0x47: {  	_ =	shalt  }
0x48: {  	_ =	shalt  }
0x49: {  	_ =	shalt  }
0x4a: {  	_ =	shalt  }
0x4b: {  	_ =	shalt  }
0x4c: {  	_ =	shalt  }
0x4d: {  	_ =	shalt  }
0x4e: {  	_ =	shalt  }
0x4f: {  	_ =	shalt  }
0x50: {  	_ =	shalt  }
0x51: {  	_ =	shalt  }
0x52: {  	_ =	shalt  }
0x53: {  	_ =	shalt  }
0x54: {  	_ =	shalt  }
0x55: {  	_ =	shalt  }
0x56: {  	_ =	shalt  }
0x57: {  	_ =	shalt  }
0x58: {  	_ =	shalt  }
0x59: {  	_ =	shalt  }
0x5a: {  	_ =	shalt  }
0x5b: {  	_ =	shalt  }
0x5c: {  	_ =	shalt  }
0x5d: {  	_ =	shalt  }
0x5e: {  	_ =	shalt  }
0x5f: {  	_ =	shalt  }
0x60: {  	_ =	shalt  }
0x61: {  	_ =	shalt  }
0x62: {  	_ =	shalt  }
0x63: {  	_ =	shalt  }
0x64: {  	_ =	shalt  }
0x65: {  	_ =	shalt  }
0x66: {  	_ =	shalt  }
0x67: {  	_ =	shalt  }
0x68: {  	_ =	shalt  }
0x69: {  	_ =	shalt  }
0x6a: {  	_ =	shalt  }
0x6b: {  	_ =	shalt  }
0x6c: {  	_ =	shalt  }
0x6d: {  	_ =	shalt  }
0x6e: {  	_ =	shalt  }
0x6f: {  	_ =	shalt  }
0x70: {  	_ =	shalt  }
0x71: {  	_ =	shalt  }
0x72: {  	_ =	shalt  }
0x73: {  	_ =	shalt  }
0x74: {  	_ =	shalt  }
0x75: {  	_ =	shalt  }
0x76: {  	_ =	shalt  }
0x77: {  	_ =	shalt  }
0x78: {  	_ =	shalt  }
0x79: {  	_ =	shalt  }
0x7a: {  	_ =	shalt  }
0x7b: {  	_ =	shalt  }
0x7c: {  	_ =	shalt  }
0x7d: {  	_ =	shalt  }
0x7e: {  	_ =	shalt  }
0x7f: {  	_ =	shalt  }
0x80: {  	_ =	shalt  }
0x81: {  	_ =	shalt  }
0x82: {  	_ =	shalt  }
0x83: {  	_ =	shalt  }
0x84: {  	_ =	shalt  }
0x85: {  	_ =	shalt  }
0x86: {  	_ =	shalt  }
0x87: {  	_ =	shalt  }
.Lfunc_end0:
.L_simem_size_0:
called_computation.1_lowered:
.L_overlay_start_0:
0x88: {  	s2 =	sld [smem:$0x3FD9]  }
0x89: {  	s3 =	sld [smem:$0x3FFE];
	_ =	sdelay $0x1  }
0x8a: {  	s1 =	srdreg.scid  }
0x8b: {  	s0 =	sand.u32 $0x1, s1  }
0x8c: {  	s14 =	sshll.u32 s0, $0xA;
	s2 =	sadd.s32 s3, s2  }
0x8d: {  	s2 =	sadd.s32 s2, s14  }
0x8e: {  	[smem:$0x3FC5] =	sst s2  }
0x8f: {  	_ = 	snop  }
0x90: {  	s2 =	sld [smem:$0x3FD0];
	_ =	sdelay $0x2  }
0x91: {  	s15 =	simm.s32 $0xA;
	s4 =	simm.s32 $0x10  }
0x92: {  	[smem:s4], [sflag:s15] =	dma.local [hbm:s2], $0x1  }
0x93: {  	_ =	swait.eq [sflag:s15], $0x1  }
0x94: {  	[sflag:s15] =	ssyncset.done $0x0  }
0x95: {  	[sflag:s15] =	ssyncadd.s32 $0xFFFFFFFF  }
0x96: {  	s16 =	sld [smem:$0x10];
	(tm) =	ssettm $0x1  }
0x97: {  	s17 =	sld [smem:$0x3FFB];
	_ =	sdelay $0x3  }
0x98: {  	_ =	strace s17  }
0x99: {  	s3 =	sld [smem:$0x3FFC];
	_ =	sdelay $0x3  }
0x9a: {  	_ =	strace s3  }
0x9b: {  	s3 =	sld [smem:$0x3FFD];
	_ =	sdelay $0x3  }
0x9c: {  	_ =	strace s3  }
0x9d: {  	_ =	strace $0x8FFFFFFF  }
0x9e: {  	s18 =	sld [smem:$0x3FDB];
	_ =	sdelay $0x1  }
0x9f: {  	s19 =	simm.s32 $_scs_section_size  }
0xa0: {  	s5 =	simm.s32 $_size__tile_overlayer_lowered;
	s6 =	simm.s32 $_tile_overlayer_lowered  }
0xa1: {  	s22 =	simm.s32 $0x1BFF;
	s21 =	sshll.u32 s6, $0x1;
	s3 =	sadd.s32 s19, s18  }
0xa2: {  	s7 =	simm.s32 $0x0;
	s20 =	sshll.u32 s5, $0x1;
	s5 =	sadd.s32 s21, s3  }
0xa3: {  	[timem:s7], [sflag:s22] =	dma.local [hbm:s5], s20  }
0xa4: {  	_ =	swait.ge [sflag:s22], s20  }
0xa5: {  	s4 =	ssub.s32 $0x0, s20;
	[sflag:s22] =	ssyncset.done $0x0  }
0xa6: {  	[sflag:s22] =	ssyncadd.s32 s4;
	_ =	sdelay $0x1  }
0xa7: {  	s23 =	simm.s32 $0x1B8B  }
0xa8: {  	_ =	swait.ge [sflag:s23], $0x1  }
0xa9: {  	[sflag:s23] =	ssyncset.done $0x0  }
0xaa: {  	s25 =	simm.s32 $0x1B8E;
	s24 =	sld [smem:$0x3FFE];
	[sflag:s23] =	ssyncadd.s32 $0xFFFFFFFF  }
0xab: {  	s26 =	simm.s32 $execute0_lowered;
	[smem:$0x3FD2] =	sst s25  }
0xac: {  	s5 =	sshll.u32 s26, $0x1;
	_ =	strace $0x8000004F;
	[dreg:$0x1] =	wrdreg $0xFFFFFFFF  }
0xad: {  	s28 =	simm.s32 $_size_execute0_lowered;
	s3 =	sadd.s32 s3, s5;
	[dreg:$0x0] =	wrdreg $0x0  }
0xae: {  	s5 =	sshll.u32 s28, $0x1;
	[dreg:$0x2] =	wrdreg s3  }
0xaf: {  	[dreg:$0x3] =	wrdreg s5  }
0xb0: {  	[dreg:$0x4] =	wrdreg $0xC0  }
0xb1: {  	_ =	task [dreg:s7], $0x5FFFF  }
0xb2: {  	[dreg:$0x1] =	wrdreg $0xFFFFFFFF  }
0xb3: {  	[dreg:$0x0] =	wrdreg $0x60  }
0xb4: {  	[dreg:$0x2] =	wrdreg s24  }
0xb5: {  	[dreg:$0x3] =	wrdreg s16  }
0xb6: {  	[dreg:$0x4] =	wrdreg $0x9  }
0xb7: {  	_ =	task.clear_ibuf [dreg:s7], $0x5FFFF;
	_ =	strace $0x9000004F  }
0xb8: {  	s29 =	simm.s32 $0x9;
	_ =	strace $0x80000051  }
0xb9: {  	_ =	swait.ge [sflag:s29], $0x1  }
0xba: {  	[sflag:s29] =	ssyncadd.s32 $0xFFFFFFFF  }
0xbb: {  	_ =	strace $0x90000051  }
0xbc: {  	_ =	sfence  }
0xbd: {  	s30 =	sld [smem:$0x0];
	_ =	sdelay $0x2  }
0xbe: {  	s31 =	sshll.u32 s1, $0xD;
	s1 =	sshrl.u32 s1, $0x2  }
0xbf: {  	s3 =	sand.u32 $0x4000, s31;
	s1 =	sadd.s32 s1, s30  }
0xc0: {  	s0 =	sor.u32 s3, s0;
	s1 =	sshll.u32 s1, $0x11  }
0xc1: {  	s0 =	sor.u32 s1, s0  }
0xc2: {  	s0 =	sadd.s32 $0x8F2B, s0  }
0xc3: {  	[sflag:s0] =	ssyncadd.remote.s32 $0x1  }
0xc4: {  	_ =	sfence.sel $0xFFFF  }
0xc5: {  	[dreg:$0x0] =	wrdreg $0xFFFFFFFF;
	(pc) =	sbr.abs _section_cstart, $3  }
0xc6: {  	[dreg:$0x1] =	wrdreg $0xFFFFFFFF  }
0xc7: {  	_ =	task.clear_ibuf [dreg:s7], $0x2FFFF;
	_ =	strace $0x9FFFFFFF  }
0xc8: {  	(tm) =	ssettm $0x7FFFFFFF  }
0xc9: {  	_ =	shalt  }
tec
execute0_lowered:
.L_overlay_start_1:
0x0: {  	(tag) =	ssettag $0x1  }
0x1: {  	s0 =	srdreg.scid  }
0x2: {  	s1 =	sshll.u32 s0, $0x4  }
0x3: {  	s0 =	stileid.u32;
	s1 =	sand.u32 $0x10, s1  }
0x4: {  	s2 =	sor.u32 s0, s1  }
0x5: {  	s1 =	smin.u32 s2, $0x1C  }
0x6: {  	s1 =	sadd.s32 s2, s1  }
0x7: {  	p0 =	slt.u32 s2, $0x1C;
	s2 =	simm.s32 $0x50;
	s1 =	smul.u32 $0x28, s1  }
0x8: {  	s2 =	simm.s32 @!p0 $0x28  }
0x9: {  	s2 =	sadd.s32 s2, s1  }
0xa: {  	s3 =	smin.u32 s2, $0x960  }
0xb: {  	s7 =	ssub.s32 s3, s1  }
0xc: {  	p0 =	sgt.s32 s7, $0x0  }
0xd: {  	s7 =	simm.s32 @!p0 $0x0  }
0xe: {  	s4 =	rddreg [dreg:$0x0];
	s31 =	smul.u32 $0xCCCD, s7  }
0xf: {  	s5 =	rddreg [dreg:$0x1]  }
0x10: {  	s6 =	simm.s32 $0x1;
	s10 =	simm.s32 $0x3;
	s8 =	sshrl.u32 s31, $0x15  }
0x11: {  	s13 =	simm.s32 $0x0;
	s12 =	simm.s32 $0x0;
	s9 =	smul.u32 $0x28, s8  }
.Ltmp0:
0x12: {  	s11 =	smov.u32 s1;
	s2 =	rddreg [dreg:$0x2];
	(pc) =	sbr.rel .LBB2_1-.Ltmp0, $4  }
0x13: {  	_ =	strace $0x80000050;
	p0 =	sne.s32 s7, s9;
	s9 =	simm.s32 $0x1  }
0x14: {  	[sflag:s6] =	ssyncpa.u1 $0x0;
	s7 =	simm.s32 $0x2;
	s9 =	simm.s32 @!p0 $0x0  }
0x15: {  	[sflag:s7] =	ssyncpa.u1 $0x0;
	p0 =	por $0x0, $0x0;
	s8 =	sadd.s32 s8, s9  }
0x16: {  	vm0 =	vmmov $0xff;
	vm1 =	vcmask $0x3F20;
	s9 =	sadd.s32 $0x1F400, s4;
	[sflag:s10] =	ssyncpa.u1 $0x0;
	s10 =	sadd.s32 $0x1, s8  }
.LBB2_6:
0x17: {  	[hbm:s17] =	stream.linear.scatter [tilespmem:s14], [sflag:$0x3], $0x400, $0x38;
	[tilespmem:$0x2850] =	vst v63  }
.LBB2_7:
0x18: {  	s13 =	sadd.s32 $0x28, s11  }
0x19: {  	s15 =	smov.u32 s1;
	p2 =	slt.s32 s13, s3  }
0x1a: {  	s15 =	smov.u32 @p2 s13;
	p2 =	sne.s32 s12, s10  }
.Ltmp1:
0x1b: {  	p1 =	slt.u32 s12, $0x2;
	(pc) =	sbr.rel @!p2 .LBB2_8-.Ltmp1, $4  }
0x1c: {  	s14 =	simm.s32 @!p1 $0x3  }
0x1d: {  	s16 =	sadd.s32 $0x1, s12;
	_ =	swait.ge @!p1 [sflag:s14], $0x1400  }
0x1e: {  	p0 =	por !p0, !p0;
	s13 =	smov.u32 s11;
	[sflag:s14] =	ssyncset.done @!p1 $0x0  }
0x1f: {  	s12 =	smov.u32 s16;
	s11 =	smov.u32 s15;
	[sflag:s14] =	ssyncadd.s32 @!p1 $0xFFFFEC00  }
.LBB2_1:
0x20: {  	p1 =	sge.u32 s12, s8  }
0x21: {  	s14 =	sxor.u32 @!p1 $0xFFFFFFFF, s12  }
0x22: {  	s14 =	sand.u32 @!p1 $0x1, s14  }
0x23: {  	s14 =	smul.u32 @!p1 $0xA0, s14  }
0x24: {  	s31 =	sadd.s32 $0xFFFFFFFF, s12;
	s15 =	sshrl.u32 @!p1 s11, $0x3  }
0x25: {  	s16 =	sand.u32 @!p1 $0x7, s11;
	s15 =	sadd.s32 @!p1 s5, s15;
	s14 =	sshrl.u32 @!p1 s14, $0x2  }
0x26: {  	[tilespmem:s14], [sflag:$0x2] =	stream.linear.gather @!p1 [hbm4b:s15+s16], $0x28, $0x38;
	[tilespmem:$0x2850] =	vst v63  }
0x27: {  	p1 =	sge.u32 s31, s8  }
.Ltmp2:
0x28: {  	_ = 	snop;
	(pc) =	sbr.rel @p1 .LBB2_7-.Ltmp2, $1  }
0x29: {  	_ =	sdelay $0x3  }
0x2a: {  	s15 =	sand.u32 $0x1, s12  }
0x2b: {  	s14 =	simm.s32 $0x1;
	s16 =	smul.u32 $0xA0, s15  }
0x2c: {  	s14 =	simm.s32 @!p0 $0x0;
	s15 =	smul.u32 $0x5000, s15  }
0x2d: {  	_ =	swait.ge [sflag:s7], $0x28;
	s14 =	smul.u32 $0x5000, s14  }
0x2e: {  	s18 =	simm.s32 $0x0;
	p1 =	por $0x1, $0x1;
	[sflag:s7] =	ssyncset.done $0x0  }
0x2f: {  	[sflag:s7] =	ssyncadd.s32 $0xFFFFFFD8;
	s15 =	sshrl.u32 s15, $0x2;
	s14 =	sshrl.u32 s14, $0x2  }
0x30: {  	s16 =	sshrl.u32 s16, $0x2;
	s17 =	sor.u32 $0x50, s15;
	s14 =	sor.u32 $0x50, s14  }
.LBB2_3:
0x31: {  	s19 =	sshll.u32 s18, $0x4  }
0x32: {  	s19 =	sand.u32 $0x3FFFFFF0, s19  }
0x33: {  	s19 =	sadd.s32 s19, s16  }
0x34: {  	v0 =	vld.msk [tilespmem:s19+$0x0 ss:$0x1], $0xffff;
	_ =	sdelay $0x4  }
0x35: {  	v1 =	vand.u32 $0x7, v0;
	v2 =	vshll.u32 v0, $0x4  }
0x36: {  	vm2 =	veq.s32 v0, $0x80000000;
	v61 =	vmul.u32 $0x1F400, v1;
	v62 =	vand.u32 $0x1FF80, v2  }
0x37: {  	v1 =	vsel vm2, $0xFFFFFF80, v62  }
0x38: {  	v0 =	vsel vm2, $0xFFFE0C00, v61;
	v63 =	vand.u32 $0xFFFFFC00, v1  }
0x39: {  	v1 =	vand.u32 $0x380, v1;
	v0 =	vadd.s32 v0, v63  }
0x3a: {  	v0 =	vor.u32 v1, v0  }
0x3b: {  	v0 =	vshrl.u32 v0, $0x3;
	_ =	sdelay $0x1  }
0x3c: {  	s31 =	sshll.u32 s18, $0xB  }
0x3d: {  	p2 =	por p1, p1;
	s18 =	sand.u32 $0x3FFFF800, s31  }
.Ltmp3:
0x3e: {  	s18 =	sadd.s32 s18, s17;
	(pc) =	sbr.rel @p2 .LBB2_3-.Ltmp3, $4  }
0x3f: {  	[tilespmem:s18], [sflag:$0x1] =	stream.indirect_vreg.gather [hbm:s4], $0x80, v0, vm0, $0x38;
	[tilespmem:$0x2850] =	vst v63  }
0x40: {  	s18 =	sadd.s32 $0x400, s18  }
0x41: {  	[tilespmem:s18], [sflag:$0x1] =	stream.indirect_vreg.gather [hbm:s4], $0x80, v0, vm1, $0x38;
	[tilespmem:$0x2850] =	vst v63  }
0x42: {  	p1 =	por $0x0, $0x0;
	s18 =	simm.s32 $0x1  }
0x43: {  	v0 =	vld.msk [tilespmem:s16+$0x20 ss:$0x1], $0xff;
	_ =	sdelay $0x4  }
0x44: {  	v1 =	vand.u32 $0x7, v0;
	v2 =	vshll.u32 v0, $0x4  }
0x45: {  	vm2 =	veq.s32 v0, $0x80000000;
	v61 =	vmul.u32 $0x1F400, v1;
	v62 =	vand.u32 $0x1FF80, v2  }
0x46: {  	v1 =	vsel vm2, $0xFFFFFF80, v62  }
0x47: {  	v0 =	vsel vm2, $0xFFFE0C00, v61;
	v63 =	vand.u32 $0xFFFFFC00, v1  }
0x48: {  	v1 =	vand.u32 $0x380, v1;
	v0 =	vadd.s32 v0, v63  }
0x49: {  	v0 =	vor.u32 v1, v0  }
0x4a: {  	v0 =	vshrl.u32 v0, $0x3;
	_ =	sdelay $0x3  }
0x4b: {  	s15 =	sadd.s32 $0x1050, s15  }
0x4c: {  	[tilespmem:s15], [sflag:$0x1] =	stream.indirect_vreg.gather [hbm:s4], $0x80, v0, vm0, $0x38;
	[tilespmem:$0x2850] =	vst v63  }
0x4d: {  	s13 =	sshll.u32 s13, $0x4;
	_ =	swait.ge [sflag:s6], $0x1400  }
0x4e: {  	s16 =	sadd.s32 $0x400, s14;
	s13 =	sadd.s32 s13, s9;
	[sflag:s6] =	ssyncset.done $0x0  }
0x4f: {  	s17 =	sadd.s32 $0x0, s13;
	s15 =	simm.s32 $0x80;
	[sflag:s6] =	ssyncadd.s32 $0xFFFFEC00  }
.LBB2_5:
0x50: {  	[hbm:s17] =	stream.linear.scatter [tilespmem:s14], [sflag:$0x3], $0x400, $0x38;
	[tilespmem:$0x2850] =	vst v63  }
0x51: {  	s17 =	smov.u32 s15;
	s14 =	smov.u32 s16;
	p1 =	sne.s32 s15, $0x200  }
.Ltmp4:
0x52: {  	s15 =	sadd.s32 $0x80, s15;
	(pc) =	sbr.rel @p1 .LBB2_5-.Ltmp4, $2  }
0x53: {  	_ =	sdelay $0x2  }
0x54: {  	s16 =	sadd.s32 $0x400, s16;
	s17 =	sadd.s32 s17, s13  }
.Ltmp5:
0x55: {  	_ = 	snop;
	(pc) =	sbr.rel .LBB2_6-.Ltmp5, $1  }
0x56: {  	_ =	sdelay $0x3  }
.LBB2_8:
0x57: {  	_ =	sfence.sel $0x180000  }
0x58: {  	s1 =	simm.s32 $0x2;
	[bflag:$0x0] =	sbarrier.arrive $0xFFFF  }
0x59: {  	s30 =	simm.s32 $0x3;
	[sflag:s1] =	ssyncpa.u1 $0x1  }
0x5a: {  	s31 =	simm.s32 $0x1;
	[sflag:s30] =	ssyncpa.u1 $0x1  }
0x5b: {  	[sflag:s31] =	ssyncpa.u1 $0x1  }
0x5c: {  	p0 =	sne.s32 s0, $0x0;
	_ =	strace $0x90000050  }
0x5d: {  	s0 =	sadd.s32 @!p0 $0x100000, s2;
	[bflag:$0x2] =	sbarrier.arrive $0xFFFF  }
0x5e: {  	[sflag:s0] =	ssyncadd.tile.s32 @!p0 $0x1;
	_ =	shalt  }
.Lfunc_end2:
_tile_overlayer_lowered:
.L_overlay_start_2:
0x5f: {  	(tag) =	ssettag $0x2  }
0x60: {  	s0 =	rddreg [dreg:$0x0];
	s2 =	stileid.u32  }
0x61: {  	s1 =	rddreg [dreg:$0x1];
	p0 =	sne.s32 s2, $0x0  }
0x62: {  	s3 =	rddreg [dreg:$0x2];
	[bflag:$0x3] =	sbarrier.arrive $0xFFFF;
	s2 =	simm.s32 @!p0 $0x1C01  }
0x63: {  	[timem:s3], [sflag:s2] =	dma.local @!p0 [hbm:s0], s1  }
0x64: {  	s0 =	simm.s32 @!p0 $0x1  }
0x65: {  	_ =	swait.ge @!p0 [sflag:s0], s1  }
0x66: {  	s1 =	ssub.s32 @!p0 $0x0, s1;
	[sflag:s0] =	ssyncset.done @!p0 $0x0  }
0x67: {  	[sflag:s0] =	ssyncadd.s32 @!p0 s1  }
0x68: {  	[bflag:$0x3] =	sbarrier.arrive $0xFFFF  }
0x69: {  	_ =	shalt  }

// kernel: gather_offload_async_start.2
scs
__scs_entry_jumppad:
0x0: {  	(pc) =	sbr.rel $0x88, $3  }
0x1: {  	(tag) =	ssettag $0x0;
	lr =	simm.s32 $0x1  }
0x2: {  	[smem:$0x3F9E] =	sst lr;
	_ =	strace $0xD0000000  }
0x3: {  	_ = 	snop  }
0x4: {  	_ = 	snop  }
0x5: {  	_ = 	snop  }
0x6: {  	_ = 	snop  }
0x7: {  	_ = 	snop  }
__scs_overlays_trampoline_lowered:
0x8: {  	[smem:$0x3FAD] =	sst s0  }
0x9: {  	[smem:$0x3FAE] =	sst s1  }
0xa: {  	[smem:$0x3FAF] =	sst s2  }
0xb: {  	[smem:$0x3FB0] =	sst s3  }
0xc: {  	[smem:$0x3FB1] =	sst s4  }
0xd: {  	[smem:$0x3FB2] =	sst s5  }
0xe: {  	[smem:$0x3FB3] =	sst s6  }
0xf: {  	[smem:$0x3FB4] =	sst s7  }
0x10: {  	[smem:$0x3FB5] =	sst s8  }
0x11: {  	[smem:$0x3FB6] =	sst s9;
	s0 =	simm.s32 @!p0 $0x0  }
0x12: {  	s1 =	sld [smem:$0x3F9C];
	s0 =	simm.s32 @p0 $0x1  }
0x13: {  	[smem:$0x3FB7] =	sst s0;
	s0 =	simm.s32 @!p1 $0x0  }
0x14: {  	s2 =	sld [smem:$0x3F9B];
	s0 =	simm.s32 @p1 $0x1  }
0x15: {  	[smem:$0x3FB8] =	sst s0;
	s0 =	simm.s32 @!p2 $0x0  }
0x16: {  	s3 =	sld [smem:$0x3FDB];
	s0 =	simm.s32 @p2 $0x1  }
0x17: {  	s4 =	simm.s32 $0x1BF5;
	[smem:$0x3FBA] =	sst s0  }
0x18: {  	s0 =	sld [smem:$0x3F9D];
	_ =	swait.ge [sflag:s4], $0x0  }
0x19: {  	s7 =	sld [smem:$0x3F9E]  }
0x1a: {  	s8 =	sadd.s32 $0xFFFFE003, lr  }
0x1b: {  	s9 =	sadd.s32 $0xFFFFFEF7, lr;
	s5 =	simm.s32 $0xFFFFFFFF;
	p2 =	slt.u32 s8, $0xFFFFF086  }
0x1c: {  	p1 =	slt.u32 s9, $0xF7A;
	s5 =	simm.s32 @!p2 $0x0  }
0x1d: {  	s5 =	simm.s32 @p1 $0x1;
	p0 =	seq.s32 s7, s2  }
0x1e: {  	s7 =	smul.u32 @!p0 $0xF7A, s2;
	p2 =	seq.s32 @!p0 s5, $0x0  }
0x1f: {  	s9 =	smul.u32 $0xF7A, s1;
	s8 =	simm.s32 @!p0 $0x1BF5;
	p2 =	por !p2, p0  }
0x20: {  	[sflag:s8] =	ssyncset.s32 @!p0 $0xFFFFF086;
	s6 =	sadd.s32 @!p0 s3, s7;
	s7 =	simm.s32 @!p0 $0x108  }
0x21: {  	s3 =	sadd.s32 s3, s9;
	s6 =	sadd.s32 @!p0 $0x88, s6;
	s7 =	simm.s32 @p2 $0x1082  }
0x22: {  	[simem:s7], [sflag:s8] =	dma.local @!p0 [hbm:s6], $0xF7A  }
0x23: {  	s9 =	sor.u32 $0xD0000000, s2;
	s6 =	simm.s32 $0x108;
	_ =	swait.ge @!p0 [sflag:s8], $0x0  }
0x24: {  	s3 =	sadd.s32 $0x88, s3;
	s6 =	simm.s32 @!p1 $0x1082;
	[sflag:s4] =	ssyncset.s32 $0xFFFFF086  }
0x25: {  	[simem:s6], [sflag:s4] =	dma.local [hbm:s3], $0xF7A  }
0x26: {  	[smem:$0x3F9E] =	sst s1;
	(tag) =	ssettag s2;
	_ =	strace s9  }
0x27: {  	s1 =	sld [smem:$0x3FAE]  }
0x28: {  	s2 =	sld [smem:$0x3FAF]  }
0x29: {  	s4 =	sld [smem:$0x3FB1]  }
0x2a: {  	p0 =	seq.s32 s5, $0x0;
	s5 =	sld [smem:$0x3FB2]  }
0x2b: {  	s6 =	sld [smem:$0x3FB3]  }
0x2c: {  	s7 =	sld [smem:$0x3FB4]  }
0x2d: {  	s3 =	simm.s32 $0x108;
	s8 =	sld [smem:$0x3FB5]  }
0x2e: {  	s3 =	simm.s32 @!p0 $0x1082;
	s9 =	sld [smem:$0x3FB6]  }
0x2f: {  	lr =	sadd.s32 s0, s3;
	s0 =	sld [smem:$0x3FAD]  }
0x30: {  	s3 =	sld [smem:$0x3FB0]  }
0x31: {  	[smem:$0x3FB9] =	sst s10  }
0x32: {  	s10 =	sld [smem:$0x3FB7];
	_ =	sdelay $0x3  }
0x33: {  	p0 =	seq.s32 s10, $0x1;
	s10 =	sld [smem:$0x3FB9];
	_ =	sdelay $0x3  }
0x34: {  	[smem:$0x3FB9] =	sst s10  }
0x35: {  	s10 =	sld [smem:$0x3FB8];
	_ =	sdelay $0x3  }
0x36: {  	p1 =	seq.s32 s10, $0x1;
	s10 =	sld [smem:$0x3FB9];
	_ =	sdelay $0x3  }
0x37: {  	[smem:$0x3FB9] =	sst s10  }
0x38: {  	s10 =	sld [smem:$0x3FBA]  }
0x39: {  	_ = 	snop;
	(pc) =	sbr.ind lr, $3  }
0x3a: {  	_ = 	snop  }
0x3b: {  	_ = 	snop  }
0x3c: {  	p2 =	seq.s32 s10, $0x1;
	s10 =	sld [smem:$0x3FB9]  }
0x3d: {  	_ =	shalt  }
0x3e: {  	_ =	shalt  }
0x3f: {  	_ =	shalt  }
0x40: {  	_ =	shalt  }
0x41: {  	_ =	shalt  }
0x42: {  	_ =	shalt  }
0x43: {  	_ =	shalt  }
0x44: {  	_ =	shalt  }
0x45: {  	_ =	shalt  }
0x46: {  	_ =	shalt  }
0x47: {  	_ =	shalt  }
0x48: {  	_ =	shalt  }
0x49: {  	_ =	shalt  }
0x4a: {  	_ =	shalt  }
0x4b: {  	_ =	shalt  }
0x4c: {  	_ =	shalt  }
0x4d: {  	_ =	shalt  }
0x4e: {  	_ =	shalt  }
0x4f: {  	_ =	shalt  }
0x50: {  	_ =	shalt  }
0x51: {  	_ =	shalt  }
0x52: {  	_ =	shalt  }
0x53: {  	_ =	shalt  }
0x54: {  	_ =	shalt  }
0x55: {  	_ =	shalt  }
0x56: {  	_ =	shalt  }
0x57: {  	_ =	shalt  }
0x58: {  	_ =	shalt  }
0x59: {  	_ =	shalt  }
0x5a: {  	_ =	shalt  }
0x5b: {  	_ =	shalt  }
0x5c: {  	_ =	shalt  }
0x5d: {  	_ =	shalt  }
0x5e: {  	_ =	shalt  }
0x5f: {  	_ =	shalt  }
0x60: {  	_ =	shalt  }
0x61: {  	_ =	shalt  }
0x62: {  	_ =	shalt  }
0x63: {  	_ =	shalt  }
0x64: {  	_ =	shalt  }
0x65: {  	_ =	shalt  }
0x66: {  	_ =	shalt  }
0x67: {  	_ =	shalt  }
0x68: {  	_ =	shalt  }
0x69: {  	_ =	shalt  }
0x6a: {  	_ =	shalt  }
0x6b: {  	_ =	shalt  }
0x6c: {  	_ =	shalt  }
0x6d: {  	_ =	shalt  }
0x6e: {  	_ =	shalt  }
0x6f: {  	_ =	shalt  }
0x70: {  	_ =	shalt  }
0x71: {  	_ =	shalt  }
0x72: {  	_ =	shalt  }
0x73: {  	_ =	shalt  }
0x74: {  	_ =	shalt  }
0x75: {  	_ =	shalt  }
0x76: {  	_ =	shalt  }
0x77: {  	_ =	shalt  }
0x78: {  	_ =	shalt  }
0x79: {  	_ =	shalt  }
0x7a: {  	_ =	shalt  }
0x7b: {  	_ =	shalt  }
0x7c: {  	_ =	shalt  }
0x7d: {  	_ =	shalt  }
0x7e: {  	_ =	shalt  }
0x7f: {  	_ =	shalt  }
0x80: {  	_ =	shalt  }
0x81: {  	_ =	shalt  }
0x82: {  	_ =	shalt  }
0x83: {  	_ =	shalt  }
0x84: {  	_ =	shalt  }
0x85: {  	_ =	shalt  }
0x86: {  	_ =	shalt  }
0x87: {  	_ =	shalt  }
.Lfunc_end0:
.L_simem_size_0:
called_computation.2_lowered:
.L_overlay_start_0:
0x88: {  	s2 =	sld [smem:$0x3FD9]  }
0x89: {  	s3 =	sld [smem:$0x3FFE];
	_ =	sdelay $0x1  }
0x8a: {  	s1 =	srdreg.scid  }
0x8b: {  	s0 =	sand.u32 $0x1, s1  }
0x8c: {  	s14 =	sshll.u32 s0, $0xA;
	s2 =	sadd.s32 s3, s2  }
0x8d: {  	s2 =	sadd.s32 s2, s14  }
0x8e: {  	[smem:$0x3FC5] =	sst s2  }
0x8f: {  	_ = 	snop  }
0x90: {  	s2 =	sld [smem:$0x3FD0];
	_ =	sdelay $0x2  }
0x91: {  	s15 =	simm.s32 $0xA;
	s4 =	simm.s32 $0x10  }
0x92: {  	[smem:s4], [sflag:s15] =	dma.local [hbm:s2], $0x1  }
0x93: {  	_ =	swait.eq [sflag:s15], $0x1  }
0x94: {  	[sflag:s15] =	ssyncset.done $0x0  }
0x95: {  	[sflag:s15] =	ssyncadd.s32 $0xFFFFFFFF  }
0x96: {  	s16 =	sld [smem:$0x10];
	(tm) =	ssettm $0x1  }
0x97: {  	s17 =	sld [smem:$0x3FFB];
	_ =	sdelay $0x3  }
0x98: {  	_ =	strace s17  }
0x99: {  	s3 =	sld [smem:$0x3FFC];
	_ =	sdelay $0x3  }
0x9a: {  	_ =	strace s3  }
0x9b: {  	s3 =	sld [smem:$0x3FFD];
	_ =	sdelay $0x3  }
0x9c: {  	_ =	strace s3  }
0x9d: {  	_ =	strace $0x8FFFFFFF  }
0x9e: {  	s18 =	sld [smem:$0x3FDB];
	_ =	sdelay $0x1  }
0x9f: {  	s19 =	simm.s32 $_scs_section_size  }
0xa0: {  	s5 =	simm.s32 $_size__tile_overlayer_lowered;
	s6 =	simm.s32 $_tile_overlayer_lowered  }
0xa1: {  	s22 =	simm.s32 $0x1BFF;
	s21 =	sshll.u32 s6, $0x1;
	s3 =	sadd.s32 s19, s18  }
0xa2: {  	s7 =	simm.s32 $0x0;
	s20 =	sshll.u32 s5, $0x1;
	s5 =	sadd.s32 s21, s3  }
0xa3: {  	[timem:s7], [sflag:s22] =	dma.local [hbm:s5], s20  }
0xa4: {  	_ =	swait.ge [sflag:s22], s20  }
0xa5: {  	s4 =	ssub.s32 $0x0, s20;
	[sflag:s22] =	ssyncset.done $0x0  }
0xa6: {  	[sflag:s22] =	ssyncadd.s32 s4;
	_ =	sdelay $0x1  }
0xa7: {  	s23 =	simm.s32 $0x1B8B  }
0xa8: {  	_ =	swait.ge [sflag:s23], $0x1  }
0xa9: {  	[sflag:s23] =	ssyncset.done $0x0  }
0xaa: {  	s25 =	simm.s32 $0x1B8E;
	s24 =	sld [smem:$0x3FFE];
	[sflag:s23] =	ssyncadd.s32 $0xFFFFFFFF  }
0xab: {  	s26 =	simm.s32 $execute0_lowered;
	[smem:$0x3FD2] =	sst s25  }
0xac: {  	s5 =	sshll.u32 s26, $0x1;
	_ =	strace $0x80000046;
	[dreg:$0x1] =	wrdreg $0xFFFFFFFF  }
0xad: {  	s28 =	simm.s32 $_size_execute0_lowered;
	s3 =	sadd.s32 s3, s5;
	[dreg:$0x0] =	wrdreg $0x0  }
0xae: {  	s5 =	sshll.u32 s28, $0x1;
	[dreg:$0x2] =	wrdreg s3  }
0xaf: {  	[dreg:$0x3] =	wrdreg s5  }
0xb0: {  	[dreg:$0x4] =	wrdreg $0xC0  }
0xb1: {  	_ =	task [dreg:s7], $0x5FFFF  }
0xb2: {  	[dreg:$0x1] =	wrdreg $0xFFFFFFFF  }
0xb3: {  	[dreg:$0x0] =	wrdreg $0x60  }
0xb4: {  	[dreg:$0x2] =	wrdreg s24  }
0xb5: {  	[dreg:$0x3] =	wrdreg s16  }
0xb6: {  	[dreg:$0x4] =	wrdreg $0x9  }
0xb7: {  	_ =	task.clear_ibuf [dreg:s7], $0x5FFFF;
	_ =	strace $0x90000046  }
0xb8: {  	s29 =	simm.s32 $0x9;
	_ =	strace $0x80000048  }
0xb9: {  	_ =	swait.ge [sflag:s29], $0x1  }
0xba: {  	[sflag:s29] =	ssyncadd.s32 $0xFFFFFFFF  }
0xbb: {  	_ =	strace $0x90000048  }
0xbc: {  	_ =	sfence  }
0xbd: {  	s30 =	sld [smem:$0x0];
	_ =	sdelay $0x2  }
0xbe: {  	s31 =	sshll.u32 s1, $0xD;
	s1 =	sshrl.u32 s1, $0x2  }
0xbf: {  	s3 =	sand.u32 $0x4000, s31;
	s1 =	sadd.s32 s1, s30  }
0xc0: {  	s0 =	sor.u32 s3, s0;
	s1 =	sshll.u32 s1, $0x11  }
0xc1: {  	s0 =	sor.u32 s1, s0  }
0xc2: {  	s0 =	sadd.s32 $0x8F2B, s0  }
0xc3: {  	[sflag:s0] =	ssyncadd.remote.s32 $0x1  }
0xc4: {  	_ =	sfence.sel $0xFFFF  }
0xc5: {  	[dreg:$0x0] =	wrdreg $0xFFFFFFFF;
	(pc) =	sbr.abs _section_cstart, $3  }
0xc6: {  	[dreg:$0x1] =	wrdreg $0xFFFFFFFF  }
0xc7: {  	_ =	task.clear_ibuf [dreg:s7], $0x2FFFF;
	_ =	strace $0x9FFFFFFF  }
0xc8: {  	(tm) =	ssettm $0x7FFFFFFF  }
0xc9: {  	_ =	shalt  }
tec
execute0_lowered:
.L_overlay_start_1:
0x0: {  	(tag) =	ssettag $0x1  }
0x1: {  	s2 =	rddreg [dreg:$0x0]  }
0x2: {  	s0 =	stileid.u32;
	s1 =	srdreg.scid  }
0x3: {  	s3 =	rddreg [dreg:$0x1];
	s8 =	simm.s32 $0x1;
	s9 =	simm.s32 $0x3  }
0x4: {  	s10 =	simm.s32 $0x0;
	s4 =	sand.u32 $0x1, s1;
	s5 =	sshll.u32 s0, $0x1  }
0x5: {  	s13 =	simm.s32 $0x0;
	s12 =	simm.s32 $0x0;
	s6 =	sor.u32 s5, s4  }
0x6: {  	s1 =	rddreg [dreg:$0x2];
	_ =	strace $0x80000047;
	s4 =	smul.u32 $0xA0, s6  }
0x7: {  	s5 =	simm.s32 $0x1;
	p0 =	slt.u32 s6, $0x13;
	s6 =	simm.s32 $0x1400  }
.Ltmp0:
0x8: {  	s6 =	simm.s32 @!p0 $0x0;
	s7 =	ssub.s32 $0x1F40, s4;
	(pc) =	sbr.rel .LBB2_1-.Ltmp0, $4  }
0x9: {  	s8 =	simm.s32 @!p0 $0x0;
	p0 =	sne.s32 s7, s6;
	s7 =	simm.s32 $0x1  }
0xa: {  	[sflag:s5] =	ssyncpa.u1 $0x0;
	s6 =	simm.s32 $0x2;
	s7 =	simm.s32 @!p0 $0x0  }
0xb: {  	s11 =	smov.u32 s4;
	[sflag:s6] =	ssyncpa.u1 $0x0;
	s7 =	sadd.s32 s8, s7  }
0xc: {  	vm0 =	vmmov $0xffff;
	s8 =	sadd.s32 $0x5000, s2;
	[sflag:s9] =	ssyncpa.u1 $0x0;
	s9 =	sadd.s32 $0x1, s7  }
.LBB2_4:
0xd: {  	vm1 =	veq.s32 v4, $0x80000000;
	v56 =	vand.u32 $0x7, v4;
	v6 =	vand.u32 $0x7FFF, v6  }
0xe: {  	v2 =	vor.u32 v2, v5;
	v59 =	vshrl.u32 v1, $0x3;
	v60 =	vand.u32 $0x7, v1  }
0xf: {  	v4 =	vsel vm1, $0xFFFFFFFF, v56;
	v6 =	vsel vm1, $0xFFFFFFFF, v6;
	v2 =	vor.u32 v3, v2  }
0x10: {  	vm1 =	veq.s32 v1, $0x80000000;
	v5 =	vand.u32 $0x7FFF, v59;
	v7 =	vshrl.u32 v4, $0x3  }
0x11: {  	v57 =	vshll.u32 v6, $0x3;
	v4 =	vshll.u32 v4, $0x7;
	v1 =	vsel vm1, $0xFFFFFFFF, v60  }
0x12: {  	v5 =	vsel vm1, $0xFFFFFFFF, v5;
	v6 =	vand.u32 $0x7F, v6;
	v7 =	vmul.u32 $0x27400, v7  }
0x13: {  	v58 =	vand.u32 $0xFFFFFC00, v57;
	v4 =	vand.u32 $0x380, v4;
	v61 =	vshrl.u32 v1, $0x3  }
0x14: {  	v62 =	vshll.u32 v5, $0x3;
	v3 =	vadd.s32 v7, v58;
	v7 =	vmul.u32 $0x27400, v61  }
0x15: {  	v1 =	vshll.u32 v1, $0x7;
	v3 =	vor.u32 v4, v3;
	v4 =	vand.u32 $0xFFFFFC00, v62  }
0x16: {  	v1 =	vand.u32 $0x380, v1;
	v3 =	vor.u32 v6, v3;
	v4 =	vadd.s32 v7, v4  }
0x17: {  	[tilespmem:s16], [sflag:$0x1] =	stream.indirect_vreg.gather [hbm4b:s2+s10], $0x1, v0, vm0, $0x4038;
	v63 =	vand.u32 $0x7F, v5;
	v1 =	vor.u32 v1, v4;
	[tilespmem:$0x280] =	vst v63  }
0x18: {  	s15 =	sadd.s32 $0x10, s15;
	(ifvalue) =	ssetifvalue $0x7FFFFFFF;
	v0 =	vor.u32 v63, v1  }
0x19: {  	[tilespmem:s15], [sflag:$0x1] =	stream.indirect_vreg.gather [hbm4b:s2+s10], $0x1, v2, vm0, $0x4038;
	[tilespmem:$0x280] =	vst v63  }
0x1a: {  	s15 =	sadd.s32 $0x10, s15;
	(ifvalue) =	ssetifvalue $0x7FFFFFFF  }
0x1b: {  	[tilespmem:s15], [sflag:$0x1] =	stream.indirect_vreg.gather [hbm4b:s2+s10], $0x1, v3, vm0, $0x4038;
	[tilespmem:$0x280] =	vst v63  }
0x1c: {  	s15 =	sadd.s32 $0x10, s15;
	(ifvalue) =	ssetifvalue $0x7FFFFFFF  }
0x1d: {  	[tilespmem:s15], [sflag:$0x1] =	stream.indirect_vreg.gather [hbm4b:s2+s10], $0x1, v0, vm0, $0x4038;
	[tilespmem:$0x280] =	vst v63  }
0x1e: {  	_ =	swait.ge [sflag:s5], $0xA0  }
0x1f: {  	s30 =	sshrl.u32 s13, $0x3;
	[sflag:s5] =	ssyncset.done $0x0  }
0x20: {  	s31 =	sand.u32 $0x7, s13;
	s15 =	sadd.s32 s8, s30;
	[sflag:s5] =	ssyncadd.s32 $0xFFFFFF60  }
0x21: {  	[hbm4b:s15+s31] =	stream.linear.scatter [tilespmem:s14], [sflag:$0x3], $0xA0, $0x38;
	[tilespmem:$0x280] =	vst v63  }
.LBB2_5:
0x22: {  	s15 =	sadd.s32 $0x1400, s11  }
0x23: {  	p1 =	sgt.s32 s15, $0x1F3F  }
0x24: {  	s15 =	smov.u32 @p1 s4;
	p1 =	sne.s32 s12, s9  }
.Ltmp1:
0x25: {  	p0 =	slt.u32 s12, $0x2;
	(pc) =	sbr.rel @!p1 .LBB2_6-.Ltmp1, $4  }
0x26: {  	s14 =	simm.s32 @!p0 $0x3  }
0x27: {  	_ =	swait.ge @!p0 [sflag:s14], $0xA0  }
0x28: {  	s16 =	sadd.s32 $0x1, s12;
	s13 =	smov.u32 s11;
	[sflag:s14] =	ssyncset.done @!p0 $0x0  }
0x29: {  	s12 =	smov.u32 s16;
	s11 =	smov.u32 s15;
	[sflag:s14] =	ssyncadd.s32 @!p0 $0xFFFFFF60  }
.LBB2_1:
0x2a: {  	p0 =	sge.u32 s12, s7  }
0x2b: {  	s14 =	sxor.u32 @!p0 $0x1, s12  }
0x2c: {  	s14 =	smul.u32 @!p0 $0x280, s14  }
0x2d: {  	s31 =	sadd.s32 $0xFFFFFFFF, s12;
	s15 =	sshrl.u32 @!p0 s11, $0x3  }
0x2e: {  	s16 =	sand.u32 @!p0 $0x7, s11;
	s15 =	sadd.s32 @!p0 s3, s15;
	s14 =	sshra.s32 @!p0 s14, $0x2  }
0x2f: {  	[tilespmem:s14], [sflag:$0x2] =	stream.linear.gather @!p0 [hbm4b:s15+s16], $0xA0, $0x38;
	[tilespmem:$0x280] =	vst v63  }
0x30: {  	p0 =	sge.u32 s31, s7  }
.Ltmp2:
0x31: {  	_ = 	snop;
	(pc) =	sbr.rel @p0 .LBB2_5-.Ltmp2, $1  }
0x32: {  	_ =	sdelay $0x3  }
0x33: {  	s14 =	sand.u32 $0x1, s12  }
0x34: {  	_ =	swait.ge [sflag:s6], $0xA0;
	p0 =	seq.s32 s14, $0x1;
	s14 =	simm.s32 $0xA0  }
0x35: {  	[sflag:s6] =	ssyncset.done $0x0;
	s14 =	simm.s32 @!p0 $0x0  }
0x36: {  	[sflag:s6] =	ssyncadd.s32 $0xFFFFFF60;
	(ifvalue) =	ssetifvalue $0x7FFFFFFF;
	v0 =	vld.msk [tilespmem:s14+$0x0 ss:$0x1], $0xffff  }
0x37: {  	s15 =	sadd.s32 $0x10, s14  }
0x38: {  	v1 =	vld.msk [tilespmem:s15+$0x0 ss:$0x1], $0xffff;
	_ =	sdelay $0x2  }
0x39: {  	v2 =	vshrl.u32 v0, $0x3  }
0x3a: {  	vm1 =	veq.s32 v0, $0x80000000;
	v0 =	vand.u32 $0x7, v0;
	v2 =	vand.u32 $0x7FFF, v2  }
0x3b: {  	v0 =	vsel vm1, $0xFFFFFFFF, v0;
	v6 =	vshrl.u32 v1, $0x3;
	v2 =	vsel vm1, $0xFFFFFFFF, v2  }
0x3c: {  	v3 =	vshrl.u32 v0, $0x3;
	v0 =	vshll.u32 v0, $0x7;
	vm1 =	veq.s32 v1, $0x80000000  }
0x3d: {  	s15 =	sadd.s32 $0x10, s15;
	v1 =	vand.u32 $0x7, v1;
	v4 =	vshll.u32 v2, $0x3;
	v3 =	vmul.u32 $0x27400, v3  }
0x3e: {  	v0 =	vand.u32 $0x380, v0;
	v7 =	vand.u32 $0x7F, v2;
	v5 =	vand.u32 $0xFFFFFC00, v4;
	v4 =	vld.msk [tilespmem:s15+$0x0 ss:$0x1], $0xffff  }
0x3f: {  	v1 =	vsel vm1, $0xFFFFFFFF, v1;
	v2 =	vadd.s32 v3, v5;
	v3 =	vand.u32 $0x7FFF, v6  }
0x40: {  	v3 =	vsel vm1, $0xFFFFFFFF, v3;
	v0 =	vor.u32 v0, v2;
	v2 =	vshrl.u32 v1, $0x3  }
0x41: {  	v1 =	vshll.u32 v1, $0x7;
	v5 =	vshll.u32 v3, $0x3;
	v8 =	vmul.u32 $0x27400, v2  }
0x42: {  	s18 =	simm.s32 $0x30;
	s14 =	sor.u32 $0x140, s14;
	s17 =	sadd.s32 $0x10, s15;
	v2 =	vand.u32 $0x380, v1;
	v0 =	vor.u32 v7, v0;
	v5 =	vand.u32 $0xFFFFFC00, v5  }
0x43: {  	s16 =	smov.u32 s14;
	s15 =	smov.u32 s14;
	v1 =	vld.msk [tilespmem:s17+$0x0 ss:$0x1], $0xffff;
	v3 =	vand.u32 $0x7F, v3;
	(ifvalue) =	ssetifvalue $0x7FFFFFFF;
	v6 =	vshrl.u32 v4, $0x3;
	v5 =	vadd.s32 v8, v5  }
.LBB2_3:
0x44: {  	s18 =	sadd.s32 $0x10, s18  }
0x45: {  	vm1 =	veq.s32 v4, $0x80000000;
	v4 =	vand.u32 $0x7, v4;
	v6 =	vand.u32 $0x7FFF, v6;
	s15 =	sadd.s32 $0x10, s15;
	p0 =	slt.u32 s18, $0x90  }
.Ltmp3:
0x46: {  	v5 =	vor.u32 v2, v5;
	v4 =	vsel vm1, $0xFFFFFFFF, v4;
	v7 =	vsel vm1, $0xFFFFFFFF, v6;
	(pc) =	sbr.rel @p0 .LBB2_3-.Ltmp3, $4  }
0x47: {  	v2 =	vshrl.u32 v4, $0x3;
	v6 =	vshll.u32 v7, $0x3;
	v4 =	vshll.u32 v4, $0x7;
	[tilespmem:s16], [sflag:$0x1] =	stream.indirect_vreg.gather [hbm4b:s2+s10], $0x1, v0, vm0, $0x4038;
	[tilespmem:$0x280] =	vst v63  }
0x48: {  	v0 =	vor.u32 v3, v5;
	s16 =	smov.u32 s15;
	v8 =	vmul.u32 $0x27400, v2;
	v2 =	vand.u32 $0x380, v4  }
0x49: {  	s17 =	sadd.s32 $0x10, s17;
	v9 =	vand.u32 $0xFFFFFC00, v6  }
0x4a: {  	v3 =	vand.u32 $0x7F, v7;
	v6 =	vshrl.u32 v1, $0x3;
	v5 =	vadd.s32 v8, v9;
	(ifvalue) =	ssetifvalue $0x7FFFFFFF;
	v4 =	vmovc v1;
	v1 =	vld.msk [tilespmem:s17+$0x0 ss:$0x1], $0xffff  }
.Ltmp4:
0x4b: {  	_ = 	snop;
	(pc) =	sbr.rel .LBB2_4-.Ltmp4, $1  }
0x4c: {  	_ =	sdelay $0x3  }
.LBB2_6:
0x4d: {  	_ =	sfence.sel $0x180000  }
0x4e: {  	s2 =	simm.s32 $0x2;
	[bflag:$0x0] =	sbarrier.arrive $0xFFFF  }
0x4f: {  	s30 =	simm.s32 $0x3;
	[sflag:s2] =	ssyncpa.u1 $0x1  }
0x50: {  	s31 =	simm.s32 $0x1;
	[sflag:s30] =	ssyncpa.u1 $0x1  }
0x51: {  	[sflag:s31] =	ssyncpa.u1 $0x1  }
0x52: {  	p0 =	sne.s32 s0, $0x0;
	_ =	strace $0x90000047  }
0x53: {  	s0 =	sadd.s32 @!p0 $0x100000, s1;
	[bflag:$0x2] =	sbarrier.arrive $0xFFFF  }
0x54: {  	[sflag:s0] =	ssyncadd.tile.s32 @!p0 $0x1;
	_ =	shalt  }
.Lfunc_end2:
_tile_overlayer_lowered:
.L_overlay_start_2:
0x55: {  	(tag) =	ssettag $0x2  }
0x56: {  	s0 =	rddreg [dreg:$0x0];
	s2 =	stileid.u32  }
0x57: {  	s1 =	rddreg [dreg:$0x1];
	p0 =	sne.s32 s2, $0x0  }
0x58: {  	s3 =	rddreg [dreg:$0x2];
	[bflag:$0x3] =	sbarrier.arrive $0xFFFF;
	s2 =	simm.s32 @!p0 $0x1C01  }
0x59: {  	[timem:s3], [sflag:s2] =	dma.local @!p0 [hbm:s0], s1  }
0x5a: {  	s0 =	simm.s32 @!p0 $0x1  }
0x5b: {  	_ =	swait.ge @!p0 [sflag:s0], s1  }
0x5c: {  	s1 =	ssub.s32 @!p0 $0x0, s1;
	[sflag:s0] =	ssyncset.done @!p0 $0x0  }
0x5d: {  	[sflag:s0] =	ssyncadd.s32 @!p0 s1  }
0x5e: {  	[bflag:$0x3] =	sbarrier.arrive $0xFFFF  }
0x5f: {  	_ =	shalt  }

// kernel: gather_offload_async_start.3
scs
__scs_entry_jumppad:
0x0: {  	(pc) =	sbr.rel $0x88, $3  }
0x1: {  	(tag) =	ssettag $0x0;
	lr =	simm.s32 $0x1  }
0x2: {  	[smem:$0x3F9E] =	sst lr;
	_ =	strace $0xD0000000  }
0x3: {  	_ = 	snop  }
0x4: {  	_ = 	snop  }
0x5: {  	_ = 	snop  }
0x6: {  	_ = 	snop  }
0x7: {  	_ = 	snop  }
__scs_overlays_trampoline_lowered:
0x8: {  	[smem:$0x3FAD] =	sst s0  }
0x9: {  	[smem:$0x3FAE] =	sst s1  }
0xa: {  	[smem:$0x3FAF] =	sst s2  }
0xb: {  	[smem:$0x3FB0] =	sst s3  }
0xc: {  	[smem:$0x3FB1] =	sst s4  }
0xd: {  	[smem:$0x3FB2] =	sst s5  }
0xe: {  	[smem:$0x3FB3] =	sst s6  }
0xf: {  	[smem:$0x3FB4] =	sst s7  }
0x10: {  	[smem:$0x3FB5] =	sst s8  }
0x11: {  	[smem:$0x3FB6] =	sst s9;
	s0 =	simm.s32 @!p0 $0x0  }
0x12: {  	s1 =	sld [smem:$0x3F9C];
	s0 =	simm.s32 @p0 $0x1  }
0x13: {  	[smem:$0x3FB7] =	sst s0;
	s0 =	simm.s32 @!p1 $0x0  }
0x14: {  	s2 =	sld [smem:$0x3F9B];
	s0 =	simm.s32 @p1 $0x1  }
0x15: {  	[smem:$0x3FB8] =	sst s0;
	s0 =	simm.s32 @!p2 $0x0  }
0x16: {  	s3 =	sld [smem:$0x3FDB];
	s0 =	simm.s32 @p2 $0x1  }
0x17: {  	s4 =	simm.s32 $0x1BF5;
	[smem:$0x3FBA] =	sst s0  }
0x18: {  	s0 =	sld [smem:$0x3F9D];
	_ =	swait.ge [sflag:s4], $0x0  }
0x19: {  	s7 =	sld [smem:$0x3F9E]  }
0x1a: {  	s8 =	sadd.s32 $0xFFFFE003, lr  }
0x1b: {  	s9 =	sadd.s32 $0xFFFFFEF7, lr;
	s5 =	simm.s32 $0xFFFFFFFF;
	p2 =	slt.u32 s8, $0xFFFFF086  }
0x1c: {  	p1 =	slt.u32 s9, $0xF7A;
	s5 =	simm.s32 @!p2 $0x0  }
0x1d: {  	s5 =	simm.s32 @p1 $0x1;
	p0 =	seq.s32 s7, s2  }
0x1e: {  	s7 =	smul.u32 @!p0 $0xF7A, s2;
	p2 =	seq.s32 @!p0 s5, $0x0  }
0x1f: {  	s9 =	smul.u32 $0xF7A, s1;
	s8 =	simm.s32 @!p0 $0x1BF5;
	p2 =	por !p2, p0  }
0x20: {  	[sflag:s8] =	ssyncset.s32 @!p0 $0xFFFFF086;
	s6 =	sadd.s32 @!p0 s3, s7;
	s7 =	simm.s32 @!p0 $0x108  }
0x21: {  	s3 =	sadd.s32 s3, s9;
	s6 =	sadd.s32 @!p0 $0x88, s6;
	s7 =	simm.s32 @p2 $0x1082  }
0x22: {  	[simem:s7], [sflag:s8] =	dma.local @!p0 [hbm:s6], $0xF7A  }
0x23: {  	s9 =	sor.u32 $0xD0000000, s2;
	s6 =	simm.s32 $0x108;
	_ =	swait.ge @!p0 [sflag:s8], $0x0  }
0x24: {  	s3 =	sadd.s32 $0x88, s3;
	s6 =	simm.s32 @!p1 $0x1082;
	[sflag:s4] =	ssyncset.s32 $0xFFFFF086  }
0x25: {  	[simem:s6], [sflag:s4] =	dma.local [hbm:s3], $0xF7A  }
0x26: {  	[smem:$0x3F9E] =	sst s1;
	(tag) =	ssettag s2;
	_ =	strace s9  }
0x27: {  	s1 =	sld [smem:$0x3FAE]  }
0x28: {  	s2 =	sld [smem:$0x3FAF]  }
0x29: {  	s4 =	sld [smem:$0x3FB1]  }
0x2a: {  	p0 =	seq.s32 s5, $0x0;
	s5 =	sld [smem:$0x3FB2]  }
0x2b: {  	s6 =	sld [smem:$0x3FB3]  }
0x2c: {  	s7 =	sld [smem:$0x3FB4]  }
0x2d: {  	s3 =	simm.s32 $0x108;
	s8 =	sld [smem:$0x3FB5]  }
0x2e: {  	s3 =	simm.s32 @!p0 $0x1082;
	s9 =	sld [smem:$0x3FB6]  }
0x2f: {  	lr =	sadd.s32 s0, s3;
	s0 =	sld [smem:$0x3FAD]  }
0x30: {  	s3 =	sld [smem:$0x3FB0]  }
0x31: {  	[smem:$0x3FB9] =	sst s10  }
0x32: {  	s10 =	sld [smem:$0x3FB7];
	_ =	sdelay $0x3  }
0x33: {  	p0 =	seq.s32 s10, $0x1;
	s10 =	sld [smem:$0x3FB9];
	_ =	sdelay $0x3  }
0x34: {  	[smem:$0x3FB9] =	sst s10  }
0x35: {  	s10 =	sld [smem:$0x3FB8];
	_ =	sdelay $0x3  }
0x36: {  	p1 =	seq.s32 s10, $0x1;
	s10 =	sld [smem:$0x3FB9];
	_ =	sdelay $0x3  }
0x37: {  	[smem:$0x3FB9] =	sst s10  }
0x38: {  	s10 =	sld [smem:$0x3FBA]  }
0x39: {  	_ = 	snop;
	(pc) =	sbr.ind lr, $3  }
0x3a: {  	_ = 	snop  }
0x3b: {  	_ = 	snop  }
0x3c: {  	p2 =	seq.s32 s10, $0x1;
	s10 =	sld [smem:$0x3FB9]  }
0x3d: {  	_ =	shalt  }
0x3e: {  	_ =	shalt  }
0x3f: {  	_ =	shalt  }
0x40: {  	_ =	shalt  }
0x41: {  	_ =	shalt  }
0x42: {  	_ =	shalt  }
0x43: {  	_ =	shalt  }
0x44: {  	_ =	shalt  }
0x45: {  	_ =	shalt  }
0x46: {  	_ =	shalt  }
0x47: {  	_ =	shalt  }
0x48: {  	_ =	shalt  }
0x49: {  	_ =	shalt  }
0x4a: {  	_ =	shalt  }
0x4b: {  	_ =	shalt  }
0x4c: {  	_ =	shalt  }
0x4d: {  	_ =	shalt  }
0x4e: {  	_ =	shalt  }
0x4f: {  	_ =	shalt  }
0x50: {  	_ =	shalt  }
0x51: {  	_ =	shalt  }
0x52: {  	_ =	shalt  }
0x53: {  	_ =	shalt  }
0x54: {  	_ =	shalt  }
0x55: {  	_ =	shalt  }
0x56: {  	_ =	shalt  }
0x57: {  	_ =	shalt  }
0x58: {  	_ =	shalt  }
0x59: {  	_ =	shalt  }
0x5a: {  	_ =	shalt  }
0x5b: {  	_ =	shalt  }
0x5c: {  	_ =	shalt  }
0x5d: {  	_ =	shalt  }
0x5e: {  	_ =	shalt  }
0x5f: {  	_ =	shalt  }
0x60: {  	_ =	shalt  }
0x61: {  	_ =	shalt  }
0x62: {  	_ =	shalt  }
0x63: {  	_ =	shalt  }
0x64: {  	_ =	shalt  }
0x65: {  	_ =	shalt  }
0x66: {  	_ =	shalt  }
0x67: {  	_ =	shalt  }
0x68: {  	_ =	shalt  }
0x69: {  	_ =	shalt  }
0x6a: {  	_ =	shalt  }
0x6b: {  	_ =	shalt  }
0x6c: {  	_ =	shalt  }
0x6d: {  	_ =	shalt  }
0x6e: {  	_ =	shalt  }
0x6f: {  	_ =	shalt  }
0x70: {  	_ =	shalt  }
0x71: {  	_ =	shalt  }
0x72: {  	_ =	shalt  }
0x73: {  	_ =	shalt  }
0x74: {  	_ =	shalt  }
0x75: {  	_ =	shalt  }
0x76: {  	_ =	shalt  }
0x77: {  	_ =	shalt  }
0x78: {  	_ =	shalt  }
0x79: {  	_ =	shalt  }
0x7a: {  	_ =	shalt  }
0x7b: {  	_ =	shalt  }
0x7c: {  	_ =	shalt  }
0x7d: {  	_ =	shalt  }
0x7e: {  	_ =	shalt  }
0x7f: {  	_ =	shalt  }
0x80: {  	_ =	shalt  }
0x81: {  	_ =	shalt  }
0x82: {  	_ =	shalt  }
0x83: {  	_ =	shalt  }
0x84: {  	_ =	shalt  }
0x85: {  	_ =	shalt  }
0x86: {  	_ =	shalt  }
0x87: {  	_ =	shalt  }
.Lfunc_end0:
.L_simem_size_0:
called_computation.3_lowered:
.L_overlay_start_0:
0x88: {  	s2 =	sld [smem:$0x3FD9]  }
0x89: {  	s3 =	sld [smem:$0x3FFE];
	_ =	sdelay $0x1  }
0x8a: {  	s1 =	srdreg.scid  }
0x8b: {  	s0 =	sand.u32 $0x1, s1  }
0x8c: {  	s14 =	sshll.u32 s0, $0xA;
	s2 =	sadd.s32 s3, s2  }
0x8d: {  	s2 =	sadd.s32 s2, s14  }
0x8e: {  	[smem:$0x3FC5] =	sst s2  }
0x8f: {  	_ = 	snop  }
0x90: {  	s2 =	sld [smem:$0x3FD0];
	_ =	sdelay $0x2  }
0x91: {  	s15 =	simm.s32 $0xA;
	s4 =	simm.s32 $0x10  }
0x92: {  	[smem:s4], [sflag:s15] =	dma.local [hbm:s2], $0x1  }
0x93: {  	_ =	swait.eq [sflag:s15], $0x1  }
0x94: {  	[sflag:s15] =	ssyncset.done $0x0  }
0x95: {  	s16 =	sld [smem:$0x10];
	[sflag:s15] =	ssyncadd.s32 $0xFFFFFFFF  }
0x96: {  	s17 =	sld [smem:$0x12];
	(tm) =	ssettm $0x1  }
0x97: {  	s18 =	sld [smem:$0x3FFB];
	_ =	sdelay $0x3  }
0x98: {  	_ =	strace s18  }
0x99: {  	s4 =	sld [smem:$0x3FFC];
	_ =	sdelay $0x3  }
0x9a: {  	_ =	strace s4  }
0x9b: {  	s4 =	sld [smem:$0x3FFD];
	_ =	sdelay $0x3  }
0x9c: {  	_ =	strace s4  }
0x9d: {  	_ =	strace $0x8FFFFFFF  }
0x9e: {  	s19 =	sld [smem:$0x3FDB];
	_ =	sdelay $0x1  }
0x9f: {  	s5 =	simm.s32 $_scs_section_size  }
0xa0: {  	s6 =	simm.s32 $_size__tile_overlayer_lowered;
	s7 =	simm.s32 $_tile_overlayer_lowered  }
0xa1: {  	s22 =	simm.s32 $0x1BFF;
	s21 =	sshll.u32 s7, $0x1;
	s4 =	sadd.s32 s5, s19  }
0xa2: {  	s8 =	simm.s32 $0x0;
	s20 =	sshll.u32 s6, $0x1;
	s6 =	sadd.s32 s21, s4  }
0xa3: {  	[timem:s8], [sflag:s22] =	dma.local [hbm:s6], s20  }
0xa4: {  	_ =	swait.ge [sflag:s22], s20  }
0xa5: {  	s5 =	ssub.s32 $0x0, s20;
	[sflag:s22] =	ssyncset.done $0x0  }
0xa6: {  	[sflag:s22] =	ssyncadd.s32 s5;
	_ =	sdelay $0x1  }
0xa7: {  	s23 =	simm.s32 $0x1B8B  }
0xa8: {  	_ =	swait.ge [sflag:s23], $0x1  }
0xa9: {  	[sflag:s23] =	ssyncset.done $0x0  }
0xaa: {  	s25 =	simm.s32 $0x1B8E;
	s24 =	sld [smem:$0x3FFE];
	[sflag:s23] =	ssyncadd.s32 $0xFFFFFFFF  }
0xab: {  	s26 =	simm.s32 $execute0_lowered;
	[smem:$0x3FD2] =	sst s25  }
0xac: {  	s6 =	sshll.u32 s26, $0x1;
	_ =	strace $0x8000004C;
	[dreg:$0x1] =	wrdreg $0xFFFFFFFF  }
0xad: {  	s28 =	simm.s32 $_size_execute0_lowered;
	s4 =	sadd.s32 s4, s6;
	[dreg:$0x0] =	wrdreg $0x0  }
0xae: {  	s6 =	sshll.u32 s28, $0x1;
	[dreg:$0x2] =	wrdreg s4  }
0xaf: {  	[dreg:$0x3] =	wrdreg s6  }
0xb0: {  	[dreg:$0x4] =	wrdreg $0xC0  }
0xb1: {  	_ =	task [dreg:s8], $0x5FFFF  }
0xb2: {  	[dreg:$0x1] =	wrdreg $0xFFFFFFFF  }
0xb3: {  	[dreg:$0x0] =	wrdreg $0x60  }
0xb4: {  	[dreg:$0x2] =	wrdreg s24  }
0xb5: {  	[dreg:$0x3] =	wrdreg s16  }
0xb6: {  	[dreg:$0x4] =	wrdreg s17  }
0xb7: {  	[dreg:$0x5] =	wrdreg $0x9  }
0xb8: {  	_ =	task.clear_ibuf [dreg:s8], $0x6FFFF;
	_ =	strace $0x9000004C  }
0xb9: {  	s29 =	simm.s32 $0x9;
	_ =	strace $0x8000004E  }
0xba: {  	_ =	swait.ge [sflag:s29], $0x1  }
0xbb: {  	[sflag:s29] =	ssyncadd.s32 $0xFFFFFFFF  }
0xbc: {  	_ =	strace $0x9000004E  }
0xbd: {  	_ =	sfence  }
0xbe: {  	s30 =	sld [smem:$0x0];
	_ =	sdelay $0x2  }
0xbf: {  	s31 =	sshll.u32 s1, $0xD;
	s1 =	sshrl.u32 s1, $0x2  }
0xc0: {  	s3 =	sand.u32 $0x4000, s31;
	s1 =	sadd.s32 s1, s30  }
0xc1: {  	s0 =	sor.u32 s3, s0;
	s1 =	sshll.u32 s1, $0x11  }
0xc2: {  	s0 =	sor.u32 s1, s0  }
0xc3: {  	s0 =	sadd.s32 $0x8F2B, s0  }
0xc4: {  	[sflag:s0] =	ssyncadd.remote.s32 $0x1  }
0xc5: {  	_ =	sfence.sel $0xFFFF  }
0xc6: {  	[dreg:$0x0] =	wrdreg $0xFFFFFFFF;
	(pc) =	sbr.abs _section_cstart, $3  }
0xc7: {  	[dreg:$0x1] =	wrdreg $0xFFFFFFFF  }
0xc8: {  	_ =	task.clear_ibuf [dreg:s8], $0x2FFFF;
	_ =	strace $0x9FFFFFFF  }
0xc9: {  	(tm) =	ssettm $0x7FFFFFFF  }
tec
execute0_lowered:
.L_overlay_start_1:
0x0: {  	(tag) =	ssettag $0x1  }
0x1: {  	s8 =	rddreg [dreg:$0x0]  }
0x2: {  	s2 =	rddreg [dreg:$0x1]  }
0x3: {  	s3 =	rddreg [dreg:$0x2];
	s1 =	stileid.u32  }
0x4: {  	s4 =	srdreg.scid;
	s0 =	rddreg [dreg:$0x3];
	_ =	strace $0x8000004D  }
0x5: {  	s7 =	simm.s32 $0x1;
	s9 =	simm.s32 $0x1;
	s10 =	simm.s32 $0x3  }
0x6: {  	s13 =	simm.s32 $0x0;
	s5 =	sand.u32 $0x1, s4;
	s6 =	sshll.u32 s1, $0x1  }
0x7: {  	s12 =	simm.s32 $0x0;
	s4 =	simm.s32 $0x1;
	s5 =	sor.u32 s6, s5  }
.Ltmp0:
0x8: {  	[sflag:s4] =	ssyncpa.u1 $0x0;
	p0 =	slt.u32 s5, $0x13;
	(pc) =	sbr.rel .LBB2_1-.Ltmp0, $4  }
0x9: {  	s6 =	simm.s32 $0x2;
	s7 =	simm.s32 @!p0 $0x0;
	p0 =	sne.s32 s5, $0x12  }
0xa: {  	[sflag:s6] =	ssyncpa.u1 $0x0;
	s5 =	smul.u32 $0x30, s5;
	s9 =	simm.s32 @!p0 $0x0  }
0xb: {  	s8 =	sadd.s32 $0x1F400, s8;
	[sflag:s10] =	ssyncpa.u1 $0x0;
	s7 =	sadd.s32 s9, s7  }
0xc: {  	vm0 =	vmmov $0xffff;
	s10 =	simm.s32 $0x0;
	s11 =	smov.u32 s5;
	s9 =	sadd.s32 $0x1, s7  }
.LBB2_4:
0xd: {  	v2 =	vsel vm1, $0xFFFFFFFF, v2;
	v3 =	vshll.u32 v1, $0x3  }
0xe: {  	v4 =	vand.u32 $0xFFFFE000, v2;
	v3 =	vand.u32 $0xFFFFFC00, v3;
	v2 =	vshll.u32 v2, $0x7  }
0xf: {  	v3 =	vadd.s32 v4, v3;
	v2 =	vand.u32 $0x380, v2  }
0x10: {  	v63 =	vand.u32 $0x7F, v1;
	v2 =	vor.u32 v2, v3  }
0x11: {  	v1 =	vor.u32 v63, v2;
	_ =	sdelay $0x2  }
0x12: {  	[tilespmem:s15], [sflag:$0x1] =	stream.indirect_vreg.gather [hbm4b:s8+s10], $0x1, v0, vm0, $0x4038;
	[tilespmem:$0xC0] =	vst v63  }
0x13: {  	(ifvalue) =	ssetifvalue $0x7FFFFFFF;
	s29 =	sadd.s32 $0x10, s15  }
0x14: {  	[tilespmem:s29], [sflag:$0x1] =	stream.indirect_vreg.gather [hbm4b:s8+s10], $0x1, v1, vm0, $0x4038;
	[tilespmem:$0xC0] =	vst v63  }
0x15: {  	_ =	swait.ge [sflag:s4], $0x30  }
0x16: {  	s30 =	sshrl.u32 s13, $0x3;
	[sflag:s4] =	ssyncset.done $0x0  }
0x17: {  	s31 =	sand.u32 $0x7, s13;
	s15 =	sadd.s32 s3, s30;
	[sflag:s4] =	ssyncadd.s32 $0xFFFFFFD0  }
0x18: {  	[hbm4b:s15+s31] =	stream.linear.scatter [tilespmem:s14], [sflag:$0x3], $0x30, $0x38;
	[tilespmem:$0xC0] =	vst v63  }
.LBB2_5:
0x19: {  	s15 =	sadd.s32 $0x600, s11  }
0x1a: {  	p1 =	sgt.s32 s15, $0x95F  }
0x1b: {  	s15 =	smov.u32 @p1 s5;
	p1 =	sne.s32 s12, s9  }
.Ltmp1:
0x1c: {  	p0 =	slt.u32 s12, $0x2;
	(pc) =	sbr.rel @!p1 .LBB2_6-.Ltmp1, $4  }
0x1d: {  	s14 =	simm.s32 @!p0 $0x3  }
0x1e: {  	_ =	swait.ge @!p0 [sflag:s14], $0x30  }
0x1f: {  	s16 =	sadd.s32 $0x1, s12;
	s13 =	smov.u32 s11;
	[sflag:s14] =	ssyncset.done @!p0 $0x0  }
0x20: {  	s12 =	smov.u32 s16;
	s11 =	smov.u32 s15;
	[sflag:s14] =	ssyncadd.s32 @!p0 $0xFFFFFFD0  }
.LBB2_1:
0x21: {  	p0 =	sge.u32 s12, s7  }
0x22: {  	s14 =	sxor.u32 @!p0 $0x1, s12  }
0x23: {  	s14 =	smul.u32 @!p0 $0xC0, s14  }
0x24: {  	s31 =	sadd.s32 $0xFFFFFFFF, s12;
	s15 =	sshrl.u32 @!p0 s11, $0x3  }
0x25: {  	s16 =	sand.u32 @!p0 $0x7, s11;
	s15 =	sadd.s32 @!p0 s2, s15;
	s14 =	sshra.s32 @!p0 s14, $0x2  }
0x26: {  	[tilespmem:s14], [sflag:$0x2] =	stream.linear.gather @!p0 [hbm4b:s15+s16], $0x30, $0x38;
	[tilespmem:$0xC0] =	vst v63  }
0x27: {  	p0 =	sge.u32 s31, s7  }
.Ltmp2:
0x28: {  	_ = 	snop;
	(pc) =	sbr.rel @p0 .LBB2_5-.Ltmp2, $1  }
0x29: {  	_ =	sdelay $0x3  }
0x2a: {  	s14 =	sand.u32 $0x1, s12  }
0x2b: {  	_ =	swait.ge [sflag:s6], $0x30;
	p0 =	seq.s32 s14, $0x1;
	s14 =	simm.s32 $0x30  }
0x2c: {  	[sflag:s6] =	ssyncset.done $0x0;
	s14 =	simm.s32 @!p0 $0x0  }
0x2d: {  	[sflag:s6] =	ssyncadd.s32 $0xFFFFFFD0;
	(ifvalue) =	ssetifvalue $0x7FFFFFFF;
	v0 =	vld.msk [tilespmem:s14+$0x0 ss:$0x1], $0xffff;
	_ =	sdelay $0x4  }
0x2e: {  	v1 =	vshrl.u32 v0, $0x3  }
0x2f: {  	vm1 =	veq.s32 v0, $0x80000000;
	v1 =	vand.u32 $0x3FF, v1  }
0x30: {  	v0 =	vand.u32 $0x7, v0;
	v1 =	vsel vm1, $0xFFFFFFFF, v1  }
0x31: {  	s15 =	sadd.s32 $0x10, s14;
	v0 =	vsel vm1, $0xFFFFFFFF, v0;
	v3 =	vshll.u32 v1, $0x3  }
0x32: {  	v2 =	vld.msk [tilespmem:s15+$0x0 ss:$0x1], $0xffff;
	v4 =	vand.u32 $0xFFFFE000, v0;
	v0 =	vshll.u32 v0, $0x7;
	v3 =	vand.u32 $0xFFFFFC00, v3  }
0x33: {  	v0 =	vand.u32 $0x380, v0;
	v3 =	vadd.s32 v4, v3  }
0x34: {  	v1 =	vand.u32 $0x7F, v1;
	v0 =	vor.u32 v0, v3  }
0x35: {  	v0 =	vor.u32 v1, v0;
	_ =	sdelay $0x1  }
0x36: {  	v63 =	vshrl.u32 v2, $0x3  }
0x37: {  	s16 =	simm.s32 $0x10;
	s14 =	sadd.s32 $0x60, s14;
	vm1 =	veq.s32 v2, $0x80000000;
	v3 =	vand.u32 $0x3FF, v63  }
0x38: {  	s17 =	sadd.s32 $0x10, s15;
	(ifvalue) =	ssetifvalue $0x7FFFFFFF;
	s15 =	smov.u32 s14;
	v2 =	vand.u32 $0x7, v2;
	v1 =	vsel vm1, $0xFFFFFFFF, v3  }
.LBB2_3:
0x39: {  	v3 =	vld.msk [tilespmem:s17+$0x0 ss:$0x1], $0xffff;
	v2 =	vsel vm1, $0xFFFFFFFF, v2;
	v4 =	vshll.u32 v1, $0x3;
	[tilespmem:s15], [sflag:$0x1] =	stream.indirect_vreg.gather [hbm4b:s8+s10], $0x1, v0, vm0, $0x4038  }
0x3a: {  	s16 =	sadd.s32 $0x10, s16;
	v0 =	vand.u32 $0xFFFFE000, v2;
	v4 =	vand.u32 $0xFFFFFC00, v4;
	v2 =	vshll.u32 v2, $0x7  }
0x3b: {  	p0 =	slt.u32 s16, $0x20;
	v0 =	vadd.s32 v0, v4;
	v2 =	vand.u32 $0x380, v2  }
0x3c: {  	v1 =	vand.u32 $0x7F, v1;
	v0 =	vor.u32 v2, v0  }
.Ltmp3:
0x3d: {  	v0 =	vor.u32 v1, v0;
	(pc) =	sbr.rel @p0 .LBB2_3-.Ltmp3, $4  }
0x3e: {  	_ = 	snop  }
0x3f: {  	v1 =	vshrl.u32 v3, $0x3  }
0x40: {  	vm1 =	veq.s32 v3, $0x80000000;
	v1 =	vand.u32 $0x3FF, v1  }
0x41: {  	s17 =	sadd.s32 $0x10, s17;
	s15 =	sadd.s32 $0x10, s15;
	v2 =	vand.u32 $0x7, v3;
	v1 =	vsel vm1, $0xFFFFFFFF, v1;
	(ifvalue) =	ssetifvalue $0x7FFFFFFF  }
.Ltmp4:
0x42: {  	_ = 	snop;
	(pc) =	sbr.rel .LBB2_4-.Ltmp4, $1  }
0x43: {  	_ =	sdelay $0x3  }
.LBB2_6:
0x44: {  	_ =	sfence.sel $0x180000  }
0x45: {  	s2 =	simm.s32 $0x2;
	[bflag:$0x0] =	sbarrier.arrive $0xFFFF  }
0x46: {  	s30 =	simm.s32 $0x3;
	[sflag:s2] =	ssyncpa.u1 $0x1  }
0x47: {  	s31 =	simm.s32 $0x1;
	[sflag:s30] =	ssyncpa.u1 $0x1  }
0x48: {  	[sflag:s31] =	ssyncpa.u1 $0x1  }
0x49: {  	p0 =	sne.s32 s1, $0x0;
	_ =	strace $0x9000004D  }
0x4a: {  	s0 =	sadd.s32 @!p0 $0x100000, s0;
	[bflag:$0x2] =	sbarrier.arrive $0xFFFF  }
0x4b: {  	[sflag:s0] =	ssyncadd.tile.s32 @!p0 $0x1;
	_ =	shalt  }
.Lfunc_end2:
_tile_overlayer_lowered:
.L_overlay_start_2:
0x4c: {  	(tag) =	ssettag $0x2  }
0x4d: {  	s0 =	rddreg [dreg:$0x0];
	s2 =	stileid.u32  }
0x4e: {  	s1 =	rddreg [dreg:$0x1];
	p0 =	sne.s32 s2, $0x0  }
0x4f: {  	s3 =	rddreg [dreg:$0x2];
	[bflag:$0x3] =	sbarrier.arrive $0xFFFF;
	s2 =	simm.s32 @!p0 $0x1C01  }
0x50: {  	[timem:s3], [sflag:s2] =	dma.local @!p0 [hbm:s0], s1  }
0x51: {  	s0 =	simm.s32 @!p0 $0x1  }
0x52: {  	_ =	swait.ge @!p0 [sflag:s0], s1  }
0x53: {  	s1 =	ssub.s32 @!p0 $0x0, s1;
	[sflag:s0] =	ssyncset.done @!p0 $0x0  }
0x54: {  	[sflag:s0] =	ssyncadd.s32 @!p0 s1  }
0x55: {  	[bflag:$0x3] =	sbarrier.arrive $0xFFFF  }
0x56: {  	_ =	shalt  }

// kernel: gather_offload_async_start
scs
__scs_entry_jumppad:
0x0: {  	(pc) =	sbr.rel $0x88, $3  }
0x1: {  	(tag) =	ssettag $0x0;
	lr =	simm.s32 $0x1  }
0x2: {  	[smem:$0x3F9E] =	sst lr;
	_ =	strace $0xD0000000  }
0x3: {  	_ = 	snop  }
0x4: {  	_ = 	snop  }
0x5: {  	_ = 	snop  }
0x6: {  	_ = 	snop  }
0x7: {  	_ = 	snop  }
__scs_overlays_trampoline_lowered:
0x8: {  	[smem:$0x3FAD] =	sst s0  }
0x9: {  	[smem:$0x3FAE] =	sst s1  }
0xa: {  	[smem:$0x3FAF] =	sst s2  }
0xb: {  	[smem:$0x3FB0] =	sst s3  }
0xc: {  	[smem:$0x3FB1] =	sst s4  }
0xd: {  	[smem:$0x3FB2] =	sst s5  }
0xe: {  	[smem:$0x3FB3] =	sst s6  }
0xf: {  	[smem:$0x3FB4] =	sst s7  }
0x10: {  	[smem:$0x3FB5] =	sst s8  }
0x11: {  	[smem:$0x3FB6] =	sst s9;
	s0 =	simm.s32 @!p0 $0x0  }
0x12: {  	s1 =	sld [smem:$0x3F9C];
	s0 =	simm.s32 @p0 $0x1  }
0x13: {  	[smem:$0x3FB7] =	sst s0;
	s0 =	simm.s32 @!p1 $0x0  }
0x14: {  	s2 =	sld [smem:$0x3F9B];
	s0 =	simm.s32 @p1 $0x1  }
0x15: {  	[smem:$0x3FB8] =	sst s0;
	s0 =	simm.s32 @!p2 $0x0  }
0x16: {  	s3 =	sld [smem:$0x3FDB];
	s0 =	simm.s32 @p2 $0x1  }
0x17: {  	s4 =	simm.s32 $0x1BF5;
	[smem:$0x3FBA] =	sst s0  }
0x18: {  	s0 =	sld [smem:$0x3F9D];
	_ =	swait.ge [sflag:s4], $0x0  }
0x19: {  	s7 =	sld [smem:$0x3F9E]  }
0x1a: {  	s8 =	sadd.s32 $0xFFFFE003, lr  }
0x1b: {  	s9 =	sadd.s32 $0xFFFFFEF7, lr;
	s5 =	simm.s32 $0xFFFFFFFF;
	p2 =	slt.u32 s8, $0xFFFFF086  }
0x1c: {  	p1 =	slt.u32 s9, $0xF7A;
	s5 =	simm.s32 @!p2 $0x0  }
0x1d: {  	s5 =	simm.s32 @p1 $0x1;
	p0 =	seq.s32 s7, s2  }
0x1e: {  	s7 =	smul.u32 @!p0 $0xF7A, s2;
	p2 =	seq.s32 @!p0 s5, $0x0  }
0x1f: {  	s9 =	smul.u32 $0xF7A, s1;
	s8 =	simm.s32 @!p0 $0x1BF5;
	p2 =	por !p2, p0  }
0x20: {  	[sflag:s8] =	ssyncset.s32 @!p0 $0xFFFFF086;
	s6 =	sadd.s32 @!p0 s3, s7;
	s7 =	simm.s32 @!p0 $0x108  }
0x21: {  	s3 =	sadd.s32 s3, s9;
	s6 =	sadd.s32 @!p0 $0x88, s6;
	s7 =	simm.s32 @p2 $0x1082  }
0x22: {  	[simem:s7], [sflag:s8] =	dma.local @!p0 [hbm:s6], $0xF7A  }
0x23: {  	s9 =	sor.u32 $0xD0000000, s2;
	s6 =	simm.s32 $0x108;
	_ =	swait.ge @!p0 [sflag:s8], $0x0  }
0x24: {  	s3 =	sadd.s32 $0x88, s3;
	s6 =	simm.s32 @!p1 $0x1082;
	[sflag:s4] =	ssyncset.s32 $0xFFFFF086  }
0x25: {  	[simem:s6], [sflag:s4] =	dma.local [hbm:s3], $0xF7A  }
0x26: {  	[smem:$0x3F9E] =	sst s1;
	(tag) =	ssettag s2;
	_ =	strace s9  }
0x27: {  	s1 =	sld [smem:$0x3FAE]  }
0x28: {  	s2 =	sld [smem:$0x3FAF]  }
0x29: {  	s4 =	sld [smem:$0x3FB1]  }
0x2a: {  	p0 =	seq.s32 s5, $0x0;
	s5 =	sld [smem:$0x3FB2]  }
0x2b: {  	s6 =	sld [smem:$0x3FB3]  }
0x2c: {  	s7 =	sld [smem:$0x3FB4]  }
0x2d: {  	s3 =	simm.s32 $0x108;
	s8 =	sld [smem:$0x3FB5]  }
0x2e: {  	s3 =	simm.s32 @!p0 $0x1082;
	s9 =	sld [smem:$0x3FB6]  }
0x2f: {  	lr =	sadd.s32 s0, s3;
	s0 =	sld [smem:$0x3FAD]  }
0x30: {  	s3 =	sld [smem:$0x3FB0]  }
0x31: {  	[smem:$0x3FB9] =	sst s10  }
0x32: {  	s10 =	sld [smem:$0x3FB7];
	_ =	sdelay $0x3  }
0x33: {  	p0 =	seq.s32 s10, $0x1;
	s10 =	sld [smem:$0x3FB9];
	_ =	sdelay $0x3  }
0x34: {  	[smem:$0x3FB9] =	sst s10  }
0x35: {  	s10 =	sld [smem:$0x3FB8];
	_ =	sdelay $0x3  }
0x36: {  	p1 =	seq.s32 s10, $0x1;
	s10 =	sld [smem:$0x3FB9];
	_ =	sdelay $0x3  }
0x37: {  	[smem:$0x3FB9] =	sst s10  }
0x38: {  	s10 =	sld [smem:$0x3FBA]  }
0x39: {  	_ = 	snop;
	(pc) =	sbr.ind lr, $3  }
0x3a: {  	_ = 	snop  }
0x3b: {  	_ = 	snop  }
0x3c: {  	p2 =	seq.s32 s10, $0x1;
	s10 =	sld [smem:$0x3FB9]  }
0x3d: {  	_ =	shalt  }
0x3e: {  	_ =	shalt  }
0x3f: {  	_ =	shalt  }
0x40: {  	_ =	shalt  }
0x41: {  	_ =	shalt  }
0x42: {  	_ =	shalt  }
0x43: {  	_ =	shalt  }
0x44: {  	_ =	shalt  }
0x45: {  	_ =	shalt  }
0x46: {  	_ =	shalt  }
0x47: {  	_ =	shalt  }
0x48: {  	_ =	shalt  }
0x49: {  	_ =	shalt  }
0x4a: {  	_ =	shalt  }
0x4b: {  	_ =	shalt  }
0x4c: {  	_ =	shalt  }
0x4d: {  	_ =	shalt  }
0x4e: {  	_ =	shalt  }
0x4f: {  	_ =	shalt  }
0x50: {  	_ =	shalt  }
0x51: {  	_ =	shalt  }
0x52: {  	_ =	shalt  }
0x53: {  	_ =	shalt  }
0x54: {  	_ =	shalt  }
0x55: {  	_ =	shalt  }
0x56: {  	_ =	shalt  }
0x57: {  	_ =	shalt  }
0x58: {  	_ =	shalt  }
0x59: {  	_ =	shalt  }
0x5a: {  	_ =	shalt  }
0x5b: {  	_ =	shalt  }
0x5c: {  	_ =	shalt  }
0x5d: {  	_ =	shalt  }
0x5e: {  	_ =	shalt  }
0x5f: {  	_ =	shalt  }
0x60: {  	_ =	shalt  }
0x61: {  	_ =	shalt  }
0x62: {  	_ =	shalt  }
0x63: {  	_ =	shalt  }
0x64: {  	_ =	shalt  }
0x65: {  	_ =	shalt  }
0x66: {  	_ =	shalt  }
0x67: {  	_ =	shalt  }
0x68: {  	_ =	shalt  }
0x69: {  	_ =	shalt  }
0x6a: {  	_ =	shalt  }
0x6b: {  	_ =	shalt  }
0x6c: {  	_ =	shalt  }
0x6d: {  	_ =	shalt  }
0x6e: {  	_ =	shalt  }
0x6f: {  	_ =	shalt  }
0x70: {  	_ =	shalt  }
0x71: {  	_ =	shalt  }
0x72: {  	_ =	shalt  }
0x73: {  	_ =	shalt  }
0x74: {  	_ =	shalt  }
0x75: {  	_ =	shalt  }
0x76: {  	_ =	shalt  }
0x77: {  	_ =	shalt  }
0x78: {  	_ =	shalt  }
0x79: {  	_ =	shalt  }
0x7a: {  	_ =	shalt  }
0x7b: {  	_ =	shalt  }
0x7c: {  	_ =	shalt  }
0x7d: {  	_ =	shalt  }
0x7e: {  	_ =	shalt  }
0x7f: {  	_ =	shalt  }
0x80: {  	_ =	shalt  }
0x81: {  	_ =	shalt  }
0x82: {  	_ =	shalt  }
0x83: {  	_ =	shalt  }
0x84: {  	_ =	shalt  }
0x85: {  	_ =	shalt  }
0x86: {  	_ =	shalt  }
0x87: {  	_ =	shalt  }
.Lfunc_end0:
.L_simem_size_0:
called_computation_lowered:
.L_overlay_start_0:
0x88: {  	s2 =	sld [smem:$0x3FD9]  }
0x89: {  	s3 =	sld [smem:$0x3FFE];
	_ =	sdelay $0x1  }
0x8a: {  	s1 =	srdreg.scid  }
0x8b: {  	s0 =	sand.u32 $0x1, s1  }
0x8c: {  	s14 =	sshll.u32 s0, $0xA;
	s2 =	sadd.s32 s3, s2  }
0x8d: {  	s2 =	sadd.s32 s2, s14  }
0x8e: {  	[smem:$0x3FC5] =	sst s2  }
0x8f: {  	_ = 	snop  }
0x90: {  	s2 =	sld [smem:$0x3FD0];
	_ =	sdelay $0x2  }
0x91: {  	s15 =	simm.s32 $0xA;
	s4 =	simm.s32 $0x10  }
0x92: {  	[smem:s4], [sflag:s15] =	dma.local [hbm:s2], $0x1  }
0x93: {  	_ =	swait.eq [sflag:s15], $0x1  }
0x94: {  	[sflag:s15] =	ssyncset.done $0x0  }
0x95: {  	[sflag:s15] =	ssyncadd.s32 $0xFFFFFFFF  }
0x96: {  	s16 =	sld [smem:$0x10];
	(tm) =	ssettm $0x1  }
0x97: {  	s17 =	sld [smem:$0x3FFB];
	_ =	sdelay $0x3  }
0x98: {  	_ =	strace s17  }
0x99: {  	s3 =	sld [smem:$0x3FFC];
	_ =	sdelay $0x3  }
0x9a: {  	_ =	strace s3  }
0x9b: {  	s3 =	sld [smem:$0x3FFD];
	_ =	sdelay $0x3  }
0x9c: {  	_ =	strace s3  }
0x9d: {  	_ =	strace $0x8FFFFFFF  }
0x9e: {  	s18 =	sld [smem:$0x3FDB];
	_ =	sdelay $0x1  }
0x9f: {  	s19 =	simm.s32 $_scs_section_size  }
0xa0: {  	s5 =	simm.s32 $_size__tile_overlayer_lowered;
	s6 =	simm.s32 $_tile_overlayer_lowered  }
0xa1: {  	s22 =	simm.s32 $0x1BFF;
	s21 =	sshll.u32 s6, $0x1;
	s3 =	sadd.s32 s19, s18  }
0xa2: {  	s7 =	simm.s32 $0x0;
	s20 =	sshll.u32 s5, $0x1;
	s5 =	sadd.s32 s21, s3  }
0xa3: {  	[timem:s7], [sflag:s22] =	dma.local [hbm:s5], s20  }
0xa4: {  	_ =	swait.ge [sflag:s22], s20  }
0xa5: {  	s4 =	ssub.s32 $0x0, s20;
	[sflag:s22] =	ssyncset.done $0x0  }
0xa6: {  	[sflag:s22] =	ssyncadd.s32 s4;
	_ =	sdelay $0x1  }
0xa7: {  	s23 =	simm.s32 $0x1B8B  }
0xa8: {  	_ =	swait.ge [sflag:s23], $0x1  }
0xa9: {  	[sflag:s23] =	ssyncset.done $0x0  }
0xaa: {  	s25 =	simm.s32 $0x1B8E;
	s24 =	sld [smem:$0x3FFE];
	[sflag:s23] =	ssyncadd.s32 $0xFFFFFFFF  }
0xab: {  	s26 =	simm.s32 $execute0_lowered;
	[smem:$0x3FD2] =	sst s25  }
0xac: {  	s5 =	sshll.u32 s26, $0x1;
	_ =	strace $0x80000049;
	[dreg:$0x1] =	wrdreg $0xFFFFFFFF  }
0xad: {  	s28 =	simm.s32 $_size_execute0_lowered;
	s3 =	sadd.s32 s3, s5;
	[dreg:$0x0] =	wrdreg $0x0  }
0xae: {  	s5 =	sshll.u32 s28, $0x1;
	[dreg:$0x2] =	wrdreg s3  }
0xaf: {  	[dreg:$0x3] =	wrdreg s5  }
0xb0: {  	[dreg:$0x4] =	wrdreg $0xC0  }
0xb1: {  	_ =	task [dreg:s7], $0x5FFFF  }
0xb2: {  	[dreg:$0x1] =	wrdreg $0xFFFFFFFF  }
0xb3: {  	[dreg:$0x0] =	wrdreg $0x60  }
0xb4: {  	[dreg:$0x2] =	wrdreg s24  }
0xb5: {  	[dreg:$0x3] =	wrdreg s16  }
0xb6: {  	[dreg:$0x4] =	wrdreg $0x9  }
0xb7: {  	_ =	task.clear_ibuf [dreg:s7], $0x5FFFF;
	_ =	strace $0x90000049  }
0xb8: {  	s29 =	simm.s32 $0x9;
	_ =	strace $0x8000004B  }
0xb9: {  	_ =	swait.ge [sflag:s29], $0x1  }
0xba: {  	[sflag:s29] =	ssyncadd.s32 $0xFFFFFFFF  }
0xbb: {  	_ =	strace $0x9000004B  }
0xbc: {  	_ =	sfence  }
0xbd: {  	s30 =	sld [smem:$0x0];
	_ =	sdelay $0x2  }
0xbe: {  	s31 =	sshll.u32 s1, $0xD;
	s1 =	sshrl.u32 s1, $0x2  }
0xbf: {  	s3 =	sand.u32 $0x4000, s31;
	s1 =	sadd.s32 s1, s30  }
0xc0: {  	s0 =	sor.u32 s3, s0;
	s1 =	sshll.u32 s1, $0x11  }
0xc1: {  	s0 =	sor.u32 s1, s0  }
0xc2: {  	s0 =	sadd.s32 $0x8F2B, s0  }
0xc3: {  	[sflag:s0] =	ssyncadd.remote.s32 $0x1  }
0xc4: {  	_ =	sfence.sel $0xFFFF  }
0xc5: {  	[dreg:$0x0] =	wrdreg $0xFFFFFFFF;
	(pc) =	sbr.abs _section_cstart, $3  }
0xc6: {  	[dreg:$0x1] =	wrdreg $0xFFFFFFFF  }
0xc7: {  	_ =	task.clear_ibuf [dreg:s7], $0x2FFFF;
	_ =	strace $0x9FFFFFFF  }
0xc8: {  	(tm) =	ssettm $0x7FFFFFFF  }
0xc9: {  	_ =	shalt  }
tec
execute0_lowered:
.L_overlay_start_1:
0x0: {  	(tag) =	ssettag $0x1  }
0x1: {  	s0 =	srdreg.scid  }
0x2: {  	s1 =	sshll.u32 s0, $0x4  }
0x3: {  	s0 =	stileid.u32;
	s1 =	sand.u32 $0x10, s1  }
0x4: {  	s2 =	sor.u32 s0, s1  }
0x5: {  	s1 =	smin.u32 s2, $0x12  }
0x6: {  	s1 =	sadd.s32 s2, s1  }
0x7: {  	p0 =	slt.u32 s2, $0x12;
	s2 =	simm.s32 $0x140;
	s1 =	smul.u32 $0xA0, s1  }
0x8: {  	s2 =	simm.s32 @!p0 $0xA0  }
0x9: {  	s2 =	sadd.s32 s2, s1  }
0xa: {  	s3 =	smin.u32 s2, $0x1F40  }
0xb: {  	s7 =	ssub.s32 s3, s1  }
0xc: {  	p0 =	sgt.s32 s7, $0x0  }
0xd: {  	s7 =	simm.s32 @!p0 $0x0  }
0xe: {  	s4 =	rddreg [dreg:$0x0];
	s31 =	smul.u32 $0xCCCD, s7  }
0xf: {  	s5 =	rddreg [dreg:$0x1]  }
0x10: {  	s6 =	simm.s32 $0x1;
	s10 =	simm.s32 $0x3;
	s8 =	sshrl.u32 s31, $0x17  }
0x11: {  	s13 =	simm.s32 $0x0;
	s12 =	simm.s32 $0x0;
	s9 =	smul.u32 $0xA0, s8  }
.Ltmp0:
0x12: {  	s11 =	smov.u32 s1;
	s2 =	rddreg [dreg:$0x2];
	(pc) =	sbr.rel .LBB2_1-.Ltmp0, $4  }
0x13: {  	_ =	strace $0x8000004A;
	p0 =	sne.s32 s7, s9;
	s9 =	simm.s32 $0x1  }
0x14: {  	[sflag:s6] =	ssyncpa.u1 $0x0;
	s7 =	simm.s32 $0x2;
	s9 =	simm.s32 @!p0 $0x0  }
0x15: {  	[sflag:s7] =	ssyncpa.u1 $0x0;
	p0 =	por $0x0, $0x0;
	s8 =	sadd.s32 s8, s9  }
0x16: {  	vm0 =	vmmov $0xff;
	vm1 =	vcmask $0x3F20;
	s9 =	sadd.s32 $0x9C4000, s4;
	[sflag:s10] =	ssyncpa.u1 $0x0;
	s10 =	sadd.s32 $0x1, s8  }
.LBB2_6:
0x17: {  	[hbm:s17] =	stream.linear.scatter [tilespmem:s14], [sflag:$0x3], $0x400, $0x38;
	[tilespmem:$0xA140] =	vst v63  }
.LBB2_7:
0x18: {  	s13 =	sadd.s32 $0xA0, s11  }
0x19: {  	s15 =	smov.u32 s1;
	p2 =	slt.s32 s13, s3  }
0x1a: {  	s15 =	smov.u32 @p2 s13;
	p2 =	sne.s32 s12, s10  }
.Ltmp1:
0x1b: {  	p1 =	slt.u32 s12, $0x2;
	(pc) =	sbr.rel @!p2 .LBB2_8-.Ltmp1, $4  }
0x1c: {  	s14 =	simm.s32 @!p1 $0x3  }
0x1d: {  	s16 =	sadd.s32 $0x1, s12;
	_ =	swait.ge @!p1 [sflag:s14], $0x5000  }
0x1e: {  	p0 =	por !p0, !p0;
	s13 =	smov.u32 s11;
	[sflag:s14] =	ssyncset.done @!p1 $0x0  }
0x1f: {  	s12 =	smov.u32 s16;
	s11 =	smov.u32 s15;
	[sflag:s14] =	ssyncadd.s32 @!p1 $0xFFFFB000  }
.LBB2_1:
0x20: {  	p1 =	sge.u32 s12, s8  }
0x21: {  	s14 =	sxor.u32 @!p1 $0xFFFFFFFF, s12  }
0x22: {  	s14 =	sand.u32 @!p1 $0x1, s14  }
0x23: {  	s14 =	smul.u32 @!p1 $0x280, s14  }
0x24: {  	s31 =	sadd.s32 $0xFFFFFFFF, s12;
	s15 =	sshrl.u32 @!p1 s11, $0x3  }
0x25: {  	s16 =	sand.u32 @!p1 $0x7, s11;
	s15 =	sadd.s32 @!p1 s5, s15;
	s14 =	sshrl.u32 @!p1 s14, $0x2  }
0x26: {  	[tilespmem:s14], [sflag:$0x2] =	stream.linear.gather @!p1 [hbm4b:s15+s16], $0xA0, $0x38;
	[tilespmem:$0xA140] =	vst v63  }
0x27: {  	p1 =	sge.u32 s31, s8  }
.Ltmp2:
0x28: {  	_ = 	snop;
	(pc) =	sbr.rel @p1 .LBB2_7-.Ltmp2, $1  }
0x29: {  	_ =	sdelay $0x3  }
0x2a: {  	s14 =	simm.s32 $0x1  }
0x2b: {  	s14 =	simm.s32 @!p0 $0x0  }
0x2c: {  	s15 =	smul.u32 $0x280, s14  }
0x2d: {  	_ =	swait.ge [sflag:s7], $0xA0  }
0x2e: {  	[sflag:s7] =	ssyncset.done $0x0;
	s16 =	sshrl.u32 s15, $0x2  }
0x2f: {  	[sflag:s7] =	ssyncadd.s32 $0xFFFFFF60;
	s15 =	sadd.s32 $0x0, s16  }
0x30: {  	v0 =	vld.msk [tilespmem:s15+$0x0 ss:$0x1], $0xffff;
	_ =	sdelay $0x4  }
0x31: {  	v1 =	vand.u32 $0x7, v0;
	v2 =	vshll.u32 v0, $0x4  }
0x32: {  	vm2 =	veq.s32 v0, $0x80000000;
	v0 =	vmul.u32 $0x271000, v1;
	v1 =	vand.u32 $0x3FFF80, v2  }
0x33: {  	v1 =	vsel vm2, $0xFFFFFF80, v1  }
0x34: {  	v0 =	vsel vm2, $0xFFD8F000, v0;
	v2 =	vand.u32 $0xFFFFFC00, v1  }
0x35: {  	v1 =	vand.u32 $0x380, v1;
	v0 =	vadd.s32 v0, v2  }
0x36: {  	v0 =	vor.u32 v1, v0  }
0x37: {  	v0 =	vshrl.u32 v0, $0x3  }
0x38: {  	s14 =	smul.u32 $0x14000, s14;
	_ =	sdelay $0x1  }
0x39: {  	s14 =	sshrl.u32 s14, $0x2  }
0x3a: {  	s14 =	sor.u32 $0x140, s14  }
0x3b: {  	[tilespmem:s14], [sflag:$0x1] =	stream.indirect_vreg.gather [hbm:s9], $0x80, v0, vm0, $0x38;
	[tilespmem:$0xA140] =	vst v63  }
0x3c: {  	s17 =	sadd.s32 $0x10, s16;
	s15 =	sadd.s32 $0x400, s14  }
0x3d: {  	[tilespmem:s15], [sflag:$0x1] =	stream.indirect_vreg.gather [hbm:s9], $0x80, v0, vm1, $0x38;
	[tilespmem:$0xA140] =	vst v63  }
0x3e: {  	s18 =	simm.s32 $0x80;
	v0 =	vld.msk [tilespmem:s17+$0x0 ss:$0x1], $0xffff;
	s17 =	smov.u32 s14  }
.LBB2_3:
0x3f: {  	p1 =	sne.s32 s18, $0x240;
	_ =	sdelay $0x4  }
0x40: {  	v1 =	vand.u32 $0x7, v0;
	v2 =	vshll.u32 v0, $0x4  }
0x41: {  	vm2 =	veq.s32 v0, $0x80000000;
	v0 =	vmul.u32 $0x271000, v1;
	v1 =	vand.u32 $0x3FFF80, v2  }
0x42: {  	v1 =	vsel vm2, $0xFFFFFF80, v1  }
0x43: {  	v0 =	vsel vm2, $0xFFD8F000, v0;
	v2 =	vand.u32 $0xFFFFFC00, v1  }
0x44: {  	v1 =	vand.u32 $0x380, v1;
	v0 =	vadd.s32 v0, v2  }
0x45: {  	v0 =	vor.u32 v1, v0  }
0x46: {  	v0 =	vshrl.u32 v0, $0x3;
	_ =	sdelay $0x3  }
.Ltmp3:
0x47: {  	s19 =	sshra.s32 s18, $0x2;
	s17 =	sadd.s32 $0x800, s17;
	(pc) =	sbr.rel @p1 .LBB2_3-.Ltmp3, $4  }
0x48: {  	[tilespmem:s17], [sflag:$0x1] =	stream.indirect_vreg.gather [hbm:s9], $0x80, v0, vm0, $0x38;
	[tilespmem:$0xA140] =	vst v63  }
0x49: {  	s19 =	sadd.s32 s19, s16;
	s20 =	sadd.s32 $0x400, s17  }
0x4a: {  	[tilespmem:s20], [sflag:$0x1] =	stream.indirect_vreg.gather [hbm:s9], $0x80, v0, vm1, $0x38;
	[tilespmem:$0xA140] =	vst v63  }
0x4b: {  	s18 =	sadd.s32 $0x40, s18;
	v0 =	vld.msk [tilespmem:s19+$0x0 ss:$0x1], $0xffff  }
0x4c: {  	_ =	sdelay $0x3  }
0x4d: {  	v1 =	vand.u32 $0x7, v0;
	v2 =	vshll.u32 v0, $0x4  }
0x4e: {  	vm2 =	veq.s32 v0, $0x80000000;
	v61 =	vmul.u32 $0x271000, v1;
	v62 =	vand.u32 $0x3FFF80, v2  }
0x4f: {  	v1 =	vsel vm2, $0xFFFFFF80, v62  }
0x50: {  	v0 =	vsel vm2, $0xFFD8F000, v61;
	v63 =	vand.u32 $0xFFFFFC00, v1  }
0x51: {  	v1 =	vand.u32 $0x380, v1;
	v0 =	vadd.s32 v0, v63  }
0x52: {  	v0 =	vor.u32 v1, v0  }
0x53: {  	v0 =	vshrl.u32 v0, $0x3;
	_ =	sdelay $0x3  }
0x54: {  	s16 =	sadd.s32 $0x800, s17  }
0x55: {  	[tilespmem:s16], [sflag:$0x1] =	stream.indirect_vreg.gather [hbm:s9], $0x80, v0, vm0, $0x38;
	[tilespmem:$0xA140] =	vst v63  }
0x56: {  	s16 =	sadd.s32 $0x400, s16  }
0x57: {  	[tilespmem:s16], [sflag:$0x1] =	stream.indirect_vreg.gather [hbm:s9], $0x80, v0, vm1, $0x38;
	[tilespmem:$0xA140] =	vst v63  }
0x58: {  	s13 =	sshll.u32 s13, $0x4;
	_ =	swait.ge [sflag:s6], $0x5000  }
0x59: {  	s13 =	sadd.s32 s13, s4;
	[sflag:s6] =	ssyncset.done $0x0  }
0x5a: {  	s17 =	sadd.s32 $0x0, s13;
	s16 =	simm.s32 $0x80;
	[sflag:s6] =	ssyncadd.s32 $0xFFFFB000  }
.LBB2_5:
0x5b: {  	[hbm:s17] =	stream.linear.scatter [tilespmem:s14], [sflag:$0x3], $0x400, $0x38;
	[tilespmem:$0xA140] =	vst v63  }
0x5c: {  	s17 =	smov.u32 s16;
	s14 =	smov.u32 s15;
	p1 =	sne.s32 s16, $0x980  }
.Ltmp4:
0x5d: {  	s16 =	sadd.s32 $0x80, s16;
	(pc) =	sbr.rel @p1 .LBB2_5-.Ltmp4, $2  }
0x5e: {  	_ =	sdelay $0x2  }
0x5f: {  	s15 =	sadd.s32 $0x400, s15;
	s17 =	sadd.s32 s17, s13  }
.Ltmp5:
0x60: {  	_ = 	snop;
	(pc) =	sbr.rel .LBB2_6-.Ltmp5, $1  }
0x61: {  	_ =	sdelay $0x3  }
.LBB2_8:
0x62: {  	_ =	sfence.sel $0x180000  }
0x63: {  	s1 =	simm.s32 $0x2;
	[bflag:$0x0] =	sbarrier.arrive $0xFFFF  }
0x64: {  	s30 =	simm.s32 $0x3;
	[sflag:s1] =	ssyncpa.u1 $0x1  }
0x65: {  	s31 =	simm.s32 $0x1;
	[sflag:s30] =	ssyncpa.u1 $0x1  }
0x66: {  	[sflag:s31] =	ssyncpa.u1 $0x1  }
0x67: {  	p0 =	sne.s32 s0, $0x0;
	_ =	strace $0x9000004A  }
0x68: {  	s0 =	sadd.s32 @!p0 $0x100000, s2;
	[bflag:$0x2] =	sbarrier.arrive $0xFFFF  }
0x69: {  	[sflag:s0] =	ssyncadd.tile.s32 @!p0 $0x1;
	_ =	shalt  }
.Lfunc_end2:
_tile_overlayer_lowered:
.L_overlay_start_2:
0x6a: {  	(tag) =	ssettag $0x2  }
0x6b: {  	s0 =	rddreg [dreg:$0x0];
	s2 =	stileid.u32  }
0x6c: {  	s1 =	rddreg [dreg:$0x1];
	p0 =	sne.s32 s2, $0x0  }
0x6d: {  	s3 =	rddreg [dreg:$0x2];
	[bflag:$0x3] =	sbarrier.arrive $0xFFFF;
	s2 =	simm.s32 @!p0 $0x1C01  }
0x6e: {  	[timem:s3], [sflag:s2] =	dma.local @!p0 [hbm:s0], s1  }
0x6f: {  	s0 =	simm.s32 @!p0 $0x1  }
0x70: {  	_ =	swait.ge @!p0 [sflag:s0], s1  }
0x71: {  	s1 =	ssub.s32 @!p0 $0x0, s1;
	[sflag:s0] =	ssyncset.done @!p0 $0x0  }
0x72: {  	[sflag:s0] =	ssyncadd.s32 @!p0 s1  }
0x73: {  	[bflag:$0x3] =	sbarrier.arrive $0xFFFF  }
0x74: {  	_ =	shalt  }

</sc_bundles>
